<compile_context>
chip_gen: v7x
topology: tpu7x:2x2x1
jax: 0.10.2.dev20260603
libtpu: 0.0.44.dev20260713+nightly
codegen_flags: <defaults>
</compile_context>

<pallas_src>
import functools

import jax
import jax.numpy as jnp
from jax import lax
from jax.experimental import pallas as pl
from jax.experimental.pallas import tpu as pltpu
from jax.experimental.pallas import tpu_sc as plsc

M = 400
KK = 10
BETA = 0.15
D = 256
QN = 64

_PREC_REF = lax.Precision.DEFAULT
_F32 = jnp.float32


def _split3(x):
    hi = x.astype(jnp.bfloat16).astype(jnp.float32)
    r1 = x - hi
    mid = r1.astype(jnp.bfloat16).astype(jnp.float32)
    return hi, mid, r1 - mid


def _split2(x):
    hi = x.astype(jnp.bfloat16).astype(jnp.float32)
    return hi, x - hi


_NC, _NS = 2, 16
_NW = _NC * _NS
_B = QN * M
_BPW = _B // _NW
_CH = 80
_NCHUNK = _BPW // _CH


def _sc_gather_body(x_hbm, idx_hbm, out_hbm, idx_v, rows_a, rows_b,
                    sem_g, sem_w):
    wid = lax.axis_index("s") * _NC + lax.axis_index("c")
    base = wid * _BPW
    bufs = (rows_a, rows_b)
    wh = [None] * _NCHUNK
    for c in range(_NCHUNK):
        off = base + c * _CH
        pltpu.sync_copy(idx_hbm.at[pl.ds(off, _CH)], idx_v)
        if c >= 2:
            wh[c - 2].wait()
        pltpu.async_copy(x_hbm.at[idx_v], bufs[c % 2], sem_g).wait()
        wh[c] = pltpu.async_copy(bufs[c % 2], out_hbm.at[pl.ds(off, _CH)],
                                 sem_w)
    wh[_NCHUNK - 2].wait()
    wh[_NCHUNK - 1].wait()


@functools.cache
def _sc_gather():
    return pl.kernel(
        _sc_gather_body,
        out_type=jax.ShapeDtypeStruct((_B, D), _F32),
        mesh=plsc.VectorSubcoreMesh(
            core_axis_name="c", subcore_axis_name="s",
            num_cores=_NC, num_subcores=_NS),
        scratch_types=[
            pltpu.VMEM((_CH,), jnp.int32),
            pltpu.VMEM((_CH, D), _F32),
            pltpu.VMEM((_CH, D), _F32),
            pltpu.SemaphoreType.DMA,
            pltpu.SemaphoreType.DMA,
        ],
    )




_QB = 2


def _tc_body(g_ref, q_ref, idx_ref, rerank_ref, res_ref, pre_ref, xdba_ref):
    for t in range(_QB):
        rer_row, r, pre_row, xd = _one_query(g_ref[t], q_ref[t], idx_ref[t])
        rerank_ref[t] = rer_row
        res_ref[t] = r
        pre_ref[t] = pre_row
        xdba_ref[t] = xd


def _one_query(a, q, idxr):
    iota_j = lax.broadcasted_iota(jnp.int32, (M, M), 1)
    iota_i = lax.broadcasted_iota(jnp.int32, (M, M), 0)

    s = lax.dot_general(a, a, (((1,), (1,)), ((), ())),
                        precision=_PREC_REF, preferred_element_type=_F32)

    sels, ws = [], []
    scur = s
    for k in range(KK):
        m = jnp.max(scur, axis=1, keepdims=True)
        am = jnp.min(jnp.where(scur == m, iota_j, M), axis=1,
                     keepdims=True)
        sel = iota_j == am
        sels.append(sel)
        ws.append(jnp.ones((M, 1), _F32) if k == 0 else BETA * m)
        if k < KK - 1:
            scur = jnp.where(sel, -jnp.inf, scur)

    a_split = jnp.concatenate(_split3(a), axis=1)
    ts, ds = [], []
    for k in range(KK):
        e3 = lax.dot_general(sels[k].astype(_F32), a_split,
                             (((1,), (0,)), ((), ())),
                             precision=_PREC_REF, preferred_element_type=_F32)
        ext = (e3[:, :D] + e3[:, D:2 * D]) + e3[:, 2 * D:]
        ts.append(ext if k == 0 else ws[k] * ext)
        ds.append(ws[k])

    def _tree_sum(vals):
        u = [vals[k] + vals[k + 8] if k + 8 < len(vals) else vals[k]
             for k in range(8)]
        v = [u[k] + u[k + 4] for k in range(4)]
        w = [v[k] + v[k + 2] for k in range(2)]
        return w[0] + w[1]

    xd = _tree_sum(ts) / _tree_sum(ds)

    r = lax.dot_general(q, xd, (((1,), (1,)), ((), ())),
                        precision=_PREC_REF, preferred_element_type=_F32)

    eye = (iota_i == iota_j).astype(_F32)
    r_split = jnp.concatenate(_split3(r), axis=0)
    rc3 = lax.dot_general(eye, r_split, (((1,), (1,)), ((), ())),
                          precision=_PREC_REF, preferred_element_type=_F32)
    rcol = (rc3[:, 0:1] + rc3[:, 1:2]) + rc3[:, 2:3]

    gt = (r > rcol).astype(_F32)
    eql = ((r == rcol) & (iota_j < iota_i)).astype(_F32)
    ones_col = jnp.ones((M, 1), _F32)
    rank_f = lax.dot_general(gt + eql, ones_col, (((1,), (0,)), ((), ())),
                             precision=_PREC_REF, preferred_element_type=_F32)
    rank = jnp.round(rank_f).astype(jnp.int32)

    perm = (rank == iota_j).astype(_F32)
    ivals = lax.broadcasted_iota(jnp.int32, (1, M), 1).astype(_F32)
    ih, il = _split2(ivals)
    rh, rl = _split2(idxr.astype(_F32))
    vrows = jnp.concatenate([ih, il, rh, rl], axis=0)
    o4 = lax.dot_general(vrows, perm, (((1,), (0,)), ((), ())),
                         precision=_PREC_REF, preferred_element_type=_F32)
    pre_row = o4[0:1, :] + o4[1:2, :]
    rer_row = o4[2:3, :] + o4[3:4, :]
    return (jnp.round(rer_row).astype(jnp.int32), r,
            jnp.round(pre_row).astype(jnp.int32), xd)


def _tc_compute(g3, q3, idx3):
    return pl.pallas_call(
        _tc_body,
        grid=(QN // _QB,),
        in_specs=[
            pl.BlockSpec((_QB, M, D), lambda i: (i, 0, 0)),
            pl.BlockSpec((_QB, 1, D), lambda i: (i, 0, 0)),
            pl.BlockSpec((_QB, 1, M), lambda i: (i, 0, 0)),
        ],
        out_specs=[
            pl.BlockSpec((_QB, 1, M), lambda i: (i, 0, 0)),
            pl.BlockSpec((_QB, 1, M), lambda i: (i, 0, 0)),
            pl.BlockSpec((_QB, 1, M), lambda i: (i, 0, 0)),
            pl.BlockSpec((_QB, M, D), lambda i: (i, 0, 0)),
        ],
        out_shape=[
            jax.ShapeDtypeStruct((QN, 1, M), jnp.int32),
            jax.ShapeDtypeStruct((QN, 1, M), _F32),
            jax.ShapeDtypeStruct((QN, 1, M), jnp.int32),
            jax.ShapeDtypeStruct((QN, M, D), _F32),
        ],
    )(g3, q3, idx3)


def kernel(X, Q, ranks):
    idx = ranks[:M, :].T.astype(jnp.int32)
    g = _sc_gather()(X, idx.reshape(-1))
    g3 = g.reshape(QN, M, D)
    rerank3, res3, pre3, xdba = _tc_compute(
        g3, Q.reshape(QN, 1, D), idx.reshape(QN, 1, M))
    return (rerank3.reshape(QN, M), res3.reshape(QN, M),
            pre3.reshape(QN, M), xdba)

# --- scband reference (transcript-rebuilt; emitter-appended) ---
"""Pipeline reference for scband-mdesc-aug-77584289234962 (READ-ONLY COPY).

The authoritative reference and input builder live on the scoring server;
editing this copy changes nothing except your own understanding.
"""

import jax, jax.numpy as jnp
import numpy as np

M = 400
KK = 9 + 1  # self.K = K + 1
BETA = 0.15
N = 100000
QN = 64
D = 256


def setup_inputs(seed: int = 0):
    key = jax.random.key(seed)
    k1, k2, k3 = jax.random.split(key, 3)
    X = jax.random.normal(k1, (N, D), dtype=jnp.float32)
    Q = jax.random.normal(k2, (QN, D), dtype=jnp.float32)
    ranks = jax.random.randint(k3, (N, QN), 0, N, dtype=jnp.int32)
    return {"X": X, "Q": Q, "ranks": ranks}


def reference(X, Q, ranks):
    # ranks: (N, q) -> transpose and take top-M per query
    ranks_trans_1000 = jnp.transpose(ranks, (1, 0))[:, :M]  # (q, M)
    X_tensor1 = X[ranks_trans_1000]  # (q, M, d)
    # pairwise inner products among top-M descriptors per query
    res_ie = jnp.einsum('abc,adc->abd', X_tensor1, X_tensor1)  # (q, M, M)
    order_full = jnp.argsort(-res_ie, axis=-1)  # (q, M, M)
    res_ie_ranks = order_full[:, :, :KK]  # (q, M, KK)
    res_ie_sorted = jnp.take_along_axis(res_ie, order_full, axis=-1)  # descending values
    res_ie_ranks_value = res_ie_sorted[:, :, :KK][..., None]  # (q, M, KK, 1)
    res_ie_ranks_value = res_ie_ranks_value.at[:, :, 1:, :].multiply(BETA)
    res_ie_ranks_value = res_ie_ranks_value.at[:, :, 0:1, :].set(1.0)
    # gather neighbor descriptors: per query a, per rank b, X_tensor1[a, idx[a,b,k], :]
    gathered = jax.vmap(lambda Xq, iq: Xq[iq])(X_tensor1, res_ie_ranks)  # (q, M, KK, d)
    x_dba = jnp.sum(gathered * res_ie_ranks_value, axis=2) / jnp.sum(res_ie_ranks_value, axis=2)  # (q, M, d)
    res_top1000_dba = jnp.einsum('ac,adc->ad', Q, x_dba)  # (q, M)
    ranks_trans_1000_pre = jnp.argsort(-res_top1000_dba, axis=-1)  # (q, M)
    rerank_dba_final = jnp.take_along_axis(ranks_trans_1000, ranks_trans_1000_pre, axis=1)  # (q, M)
    return (rerank_dba_final, res_top1000_dba, ranks_trans_1000_pre, x_dba)

if __name__ == "__main__":
    import jax
    _d = setup_inputs()
    print(jax.jit(kernel)(*tuple(_d.values())))

</pallas_src>

<mosaic_0001>
#map = affine_map<(d0, d1) -> (0, 0)>
#map1 = affine_map<(d0, d1) -> (0)>
module attributes {stable_mosaic.version = 14 : i64} {
  func.func @_sc_gather_body(%arg0: i32, %arg1: i32, %arg2: memref<100000x256xf32, #tpu.memory_space<hbm>>, %arg3: memref<25600xi32, #tpu.memory_space<hbm>>, %arg4: memref<25600x256xf32, #tpu.memory_space<hbm>>, %arg5: memref<80xi32, #tpu.memory_space<vmem>>, %arg6: memref<80x256xf32, #tpu.memory_space<vmem>>, %arg7: memref<80x256xf32, #tpu.memory_space<vmem>>, %arg8: memref<!tpu.dma_semaphore, #tpu.memory_space<semaphore_mem>>, %arg9: memref<!tpu.dma_semaphore, #tpu.memory_space<semaphore_mem>>) attributes {dimension_semantics = [#tpu.dimension_semantics<core_parallel>, #tpu.dimension_semantics<subcore_parallel>], iteration_bounds = array<i64: 2, 16>, scalar_prefetch = 0 : i64, scratch_operands = 5 : i64, tpu.core_type = #tpu.core_type<sc_vector_subcore>, window_params = [{transform_indices = #map}, {transform_indices = #map1}, {transform_indices = #map}]} {
    %mul3A = arith.constant 2 : i32
    %mul3A_0 = arith.muli %arg1, %mul3A : i32
    %add3A = arith.addi %mul3A_0, %arg0 : i32
    %mul3A_1 = arith.constant 800 : i32
    %mul3A_2 = arith.muli %add3A, %mul3A_1 : i32
    %add3A_3 = arith.constant 0 : i32
    %add3A_4 = arith.addi %mul3A_2, %add3A_3 : i32
    "tpu.region"() ({
      %run_scoped3A = tpu.sem_alloc : memref<!tpu.dma_semaphore, #tpu.memory_space<semaphore_mem>>
      %dma_start3A_161 = tpu.memref_slice %arg3[%add3A_4] : memref<25600xi32, #tpu.memory_space<hbm>> -> memref<80xi32, #tpu.memory_space<hbm>>
      %dma_start3A_162 = tpu.memref_slice %arg3[%add3A_4] : memref<25600xi32, #tpu.memory_space<hbm>> -> memref<80xi32, #tpu.memory_space<hbm>>
      tpu.enqueue_dma source(%dma_start3A_162 : memref<80xi32, #tpu.memory_space<hbm>>) target(%arg5 : memref<80xi32, #tpu.memory_space<vmem>>) target_semaphore(%run_scoped3A : memref<!tpu.dma_semaphore, #tpu.memory_space<semaphore_mem>>)
      %dma_wait3A_163 = tpu.memref_slice %arg3[%add3A_4] : memref<25600xi32, #tpu.memory_space<hbm>> -> memref<80xi32, #tpu.memory_space<hbm>>
      %dma_wait3A_164 = tpu.memref_slice %arg3[%add3A_4] : memref<25600xi32, #tpu.memory_space<hbm>> -> memref<80xi32, #tpu.memory_space<hbm>>
      tpu.wait_dma2 semaphore(%run_scoped3A : memref<!tpu.dma_semaphore, #tpu.memory_space<semaphore_mem>>) src(%dma_wait3A_164 : memref<80xi32, #tpu.memory_space<hbm>>) dst(%arg5 : memref<80xi32, #tpu.memory_space<vmem>>)
      tpu.yield
    }) : () -> ()
    %dma_start3A = arith.constant 0 : i32
    %dma_start3A_5 = arith.constant 0 : i32
    %dma_start3A_6 = tpu.memref_slice %arg2[%dma_start3A, %dma_start3A_5] : memref<100000x256xf32, #tpu.memory_space<hbm>> -> memref<100000x256xf32, #tpu.memory_space<hbm>>
    tpu.enqueue_indirect_dma source(%dma_start3A_6 : memref<100000x256xf32, #tpu.memory_space<hbm>>) target(%arg6 : memref<80x256xf32, #tpu.memory_space<vmem>>) offsets(%arg5 : memref<80xi32, #tpu.memory_space<vmem>>) semaphore(%arg8 : memref<!tpu.dma_semaphore, #tpu.memory_space<semaphore_mem>>)
    %dma_wait3A = arith.constant 0 : i32
    %dma_wait3A_7 = arith.constant 0 : i32
    %dma_wait3A_8 = tpu.memref_slice %arg2[%dma_wait3A, %dma_wait3A_7] : memref<100000x256xf32, #tpu.memory_space<hbm>> -> memref<100000x256xf32, #tpu.memory_space<hbm>>
    tpu.wait_indirect_dma semaphore(%arg8 : memref<!tpu.dma_semaphore, #tpu.memory_space<semaphore_mem>>) src(%dma_wait3A_8 : memref<100000x256xf32, #tpu.memory_space<hbm>>) dst(%arg6 : memref<80x256xf32, #tpu.memory_space<vmem>>)
    %dma_start3A_9 = arith.constant 0 : i32
    %dma_start3A_10 = tpu.memref_slice %arg4[%add3A_4, %dma_start3A_9] : memref<25600x256xf32, #tpu.memory_space<hbm>> -> memref<80x256xf32, #tpu.memory_space<hbm>>
    %dma_start3A_11 = arith.constant 0 : i32
    %dma_start3A_12 = tpu.memref_slice %arg4[%add3A_4, %dma_start3A_11] : memref<25600x256xf32, #tpu.memory_space<hbm>> -> memref<80x256xf32, #tpu.memory_space<hbm>>
    tpu.enqueue_dma source(%arg6 : memref<80x256xf32, #tpu.memory_space<vmem>>) target(%dma_start3A_12 : memref<80x256xf32, #tpu.memory_space<hbm>>) target_semaphore(%arg9 : memref<!tpu.dma_semaphore, #tpu.memory_space<semaphore_mem>>)
    %add3A_13 = arith.constant 80 : i32
    %add3A_14 = arith.addi %mul3A_2, %add3A_13 : i32
    "tpu.region"() ({
      %run_scoped3A = tpu.sem_alloc : memref<!tpu.dma_semaphore, #tpu.memory_space<semaphore_mem>>
      %dma_start3A_161 = tpu.memref_slice %arg3[%add3A_14] : memref<25600xi32, #tpu.memory_space<hbm>> -> memref<80xi32, #tpu.memory_space<hbm>>
      %dma_start3A_162 = tpu.memref_slice %arg3[%add3A_14] : memref<25600xi32, #tpu.memory_space<hbm>> -> memref<80xi32, #tpu.memory_space<hbm>>
      tpu.enqueue_dma source(%dma_start3A_162 : memref<80xi32, #tpu.memory_space<hbm>>) target(%arg5 : memref<80xi32, #tpu.memory_space<vmem>>) target_semaphore(%run_scoped3A : memref<!tpu.dma_semaphore, #tpu.memory_space<semaphore_mem>>)
      %dma_wait3A_163 = tpu.memref_slice %arg3[%add3A_14] : memref<25600xi32, #tpu.memory_space<hbm>> -> memref<80xi32, #tpu.memory_space<hbm>>
      %dma_wait3A_164 = tpu.memref_slice %arg3[%add3A_14] : memref<25600xi32, #tpu.memory_space<hbm>> -> memref<80xi32, #tpu.memory_space<hbm>>
      tpu.wait_dma2 semaphore(%run_scoped3A : memref<!tpu.dma_semaphore, #tpu.memory_space<semaphore_mem>>) src(%dma_wait3A_164 : memref<80xi32, #tpu.memory_space<hbm>>) dst(%arg5 : memref<80xi32, #tpu.memory_space<vmem>>)
      tpu.yield
    }) : () -> ()
    %dma_start3A_15 = arith.constant 0 : i32
    %dma_start3A_16 = arith.constant 0 : i32
    %dma_start3A_17 = tpu.memref_slice %arg2[%dma_start3A_15, %dma_start3A_16] : memref<100000x256xf32, #tpu.memory_space<hbm>> -> memref<100000x256xf32, #tpu.memory_space<hbm>>
    tpu.enqueue_indirect_dma source(%dma_start3A_17 : memref<100000x256xf32, #tpu.memory_space<hbm>>) target(%arg7 : memref<80x256xf32, #tpu.memory_space<vmem>>) offsets(%arg5 : memref<80xi32, #tpu.memory_space<vmem>>) semaphore(%arg8 : memref<!tpu.dma_semaphore, #tpu.memory_space<semaphore_mem>>)
    %dma_wait3A_18 = arith.constant 0 : i32
    %dma_wait3A_19 = arith.constant 0 : i32
    %dma_wait3A_20 = tpu.memref_slice %arg2[%dma_wait3A_18, %dma_wait3A_19] : memref<100000x256xf32, #tpu.memory_space<hbm>> -> memref<100000x256xf32, #tpu.memory_space<hbm>>
    tpu.wait_indirect_dma semaphore(%arg8 : memref<!tpu.dma_semaphore, #tpu.memory_space<semaphore_mem>>) src(%dma_wait3A_20 : memref<100000x256xf32, #tpu.memory_space<hbm>>) dst(%arg7 : memref<80x256xf32, #tpu.memory_space<vmem>>)
    %dma_start3A_21 = arith.constant 0 : i32
    %dma_start3A_22 = tpu.memref_slice %arg4[%add3A_14, %dma_start3A_21] : memref<25600x256xf32, #tpu.memory_space<hbm>> -> memref<80x256xf32, #tpu.memory_space<hbm>>
    %dma_start3A_23 = arith.constant 0 : i32
    %dma_start3A_24 = tpu.memref_slice %arg4[%add3A_14, %dma_start3A_23] : memref<25600x256xf32, #tpu.memory_space<hbm>> -> memref<80x256xf32, #tpu.memory_space<hbm>>
    tpu.enqueue_dma source(%arg7 : memref<80x256xf32, #tpu.memory_space<vmem>>) target(%dma_start3A_24 : memref<80x256xf32, #tpu.memory_space<hbm>>) target_semaphore(%arg9 : memref<!tpu.dma_semaphore, #tpu.memory_space<semaphore_mem>>)
    %add3A_25 = arith.constant 160 : i32
    %add3A_26 = arith.addi %mul3A_2, %add3A_25 : i32
    "tpu.region"() ({
      %run_scoped3A = tpu.sem_alloc : memref<!tpu.dma_semaphore, #tpu.memory_space<semaphore_mem>>
      %dma_start3A_161 = tpu.memref_slice %arg3[%add3A_26] : memref<25600xi32, #tpu.memory_space<hbm>> -> memref<80xi32, #tpu.memory_space<hbm>>
      %dma_start3A_162 = tpu.memref_slice %arg3[%add3A_26] : memref<25600xi32, #tpu.memory_space<hbm>> -> memref<80xi32, #tpu.memory_space<hbm>>
      tpu.enqueue_dma source(%dma_start3A_162 : memref<80xi32, #tpu.memory_space<hbm>>) target(%arg5 : memref<80xi32, #tpu.memory_space<vmem>>) target_semaphore(%run_scoped3A : memref<!tpu.dma_semaphore, #tpu.memory_space<semaphore_mem>>)
      %dma_wait3A_163 = tpu.memref_slice %arg3[%add3A_26] : memref<25600xi32, #tpu.memory_space<hbm>> -> memref<80xi32, #tpu.memory_space<hbm>>
      %dma_wait3A_164 = tpu.memref_slice %arg3[%add3A_26] : memref<25600xi32, #tpu.memory_space<hbm>> -> memref<80xi32, #tpu.memory_space<hbm>>
      tpu.wait_dma2 semaphore(%run_scoped3A : memref<!tpu.dma_semaphore, #tpu.memory_space<semaphore_mem>>) src(%dma_wait3A_164 : memref<80xi32, #tpu.memory_space<hbm>>) dst(%arg5 : memref<80xi32, #tpu.memory_space<vmem>>)
      tpu.yield
    }) : () -> ()
    %dma_wait3A_27 = arith.constant 0 : i32
    %dma_wait3A_28 = tpu.memref_slice %arg4[%add3A_4, %dma_wait3A_27] : memref<25600x256xf32, #tpu.memory_space<hbm>> -> memref<80x256xf32, #tpu.memory_space<hbm>>
    %dma_wait3A_29 = arith.constant 0 : i32
    %dma_wait3A_30 = tpu.memref_slice %arg4[%add3A_4, %dma_wait3A_29] : memref<25600x256xf32, #tpu.memory_space<hbm>> -> memref<80x256xf32, #tpu.memory_space<hbm>>
    tpu.wait_dma2 semaphore(%arg9 : memref<!tpu.dma_semaphore, #tpu.memory_space<semaphore_mem>>) src(%arg6 : memref<80x256xf32, #tpu.memory_space<vmem>>) dst(%dma_wait3A_30 : memref<80x256xf32, #tpu.memory_space<hbm>>)
    %dma_start3A_31 = arith.constant 0 : i32
    %dma_start3A_32 = arith.constant 0 : i32
    %dma_start3A_33 = tpu.memref_slice %arg2[%dma_start3A_31, %dma_start3A_32] : memref<100000x256xf32, #tpu.memory_space<hbm>> -> memref<100000x256xf32, #tpu.memory_space<hbm>>
    tpu.enqueue_indirect_dma source(%dma_start3A_33 : memref<100000x256xf32, #tpu.memory_space<hbm>>) target(%arg6 : memref<80x256xf32, #tpu.memory_space<vmem>>) offsets(%arg5 : memref<80xi32, #tpu.memory_space<vmem>>) semaphore(%arg8 : memref<!tpu.dma_semaphore, #tpu.memory_space<semaphore_mem>>)
    %dma_wait3A_34 = arith.constant 0 : i32
    %dma_wait3A_35 = arith.constant 0 : i32
    %dma_wait3A_36 = tpu.memref_slice %arg2[%dma_wait3A_34, %dma_wait3A_35] : memref<100000x256xf32, #tpu.memory_space<hbm>> -> memref<100000x256xf32, #tpu.memory_space<hbm>>
    tpu.wait_indirect_dma semaphore(%arg8 : memref<!tpu.dma_semaphore, #tpu.memory_space<semaphore_mem>>) src(%dma_wait3A_36 : memref<100000x256xf32, #tpu.memory_space<hbm>>) dst(%arg6 : memref<80x256xf32, #tpu.memory_space<vmem>>)
    %dma_start3A_37 = arith.constant 0 : i32
    %dma_start3A_38 = tpu.memref_slice %arg4[%add3A_26, %dma_start3A_37] : memref<25600x256xf32, #tpu.memory_space<hbm>> -> memref<80x256xf32, #tpu.memory_space<hbm>>
    %dma_start3A_39 = arith.constant 0 : i32
    %dma_start3A_40 = tpu.memref_slice %arg4[%add3A_26, %dma_start3A_39] : memref<25600x256xf32, #tpu.memory_space<hbm>> -> memref<80x256xf32, #tpu.memory_space<hbm>>
    tpu.enqueue_dma source(%arg6 : memref<80x256xf32, #tpu.memory_space<vmem>>) target(%dma_start3A_40 : memref<80x256xf32, #tpu.memory_space<hbm>>) target_semaphore(%arg9 : memref<!tpu.dma_semaphore, #tpu.memory_space<semaphore_mem>>)
    %add3A_41 = arith.constant 240 : i32
    %add3A_42 = arith.addi %mul3A_2, %add3A_41 : i32
    "tpu.region"() ({
      %run_scoped3A = tpu.sem_alloc : memref<!tpu.dma_semaphore, #tpu.memory_space<semaphore_mem>>
      %dma_start3A_161 = tpu.memref_slice %arg3[%add3A_42] : memref<25600xi32, #tpu.memory_space<hbm>> -> memref<80xi32, #tpu.memory_space<hbm>>
      %dma_start3A_162 = tpu.memref_slice %arg3[%add3A_42] : memref<25600xi32, #tpu.memory_space<hbm>> -> memref<80xi32, #tpu.memory_space<hbm>>
      tpu.enqueue_dma source(%dma_start3A_162 : memref<80xi32, #tpu.memory_space<hbm>>) target(%arg5 : memref<80xi32, #tpu.memory_space<vmem>>) target_semaphore(%run_scoped3A : memref<!tpu.dma_semaphore, #tpu.memory_space<semaphore_mem>>)
      %dma_wait3A_163 = tpu.memref_slice %arg3[%add3A_42] : memref<25600xi32, #tpu.memory_space<hbm>> -> memref<80xi32, #tpu.memory_space<hbm>>
      %dma_wait3A_164 = tpu.memref_slice %arg3[%add3A_42] : memref<25600xi32, #tpu.memory_space<hbm>> -> memref<80xi32, #tpu.memory_space<hbm>>
      tpu.wait_dma2 semaphore(%run_scoped3A : memref<!tpu.dma_semaphore, #tpu.memory_space<semaphore_mem>>) src(%dma_wait3A_164 : memref<80xi32, #tpu.memory_space<hbm>>) dst(%arg5 : memref<80xi32, #tpu.memory_space<vmem>>)
      tpu.yield
    }) : () -> ()
    %dma_wait3A_43 = arith.constant 0 : i32
    %dma_wait3A_44 = tpu.memref_slice %arg4[%add3A_14, %dma_wait3A_43] : memref<25600x256xf32, #tpu.memory_space<hbm>> -> memref<80x256xf32, #tpu.memory_space<hbm>>
    %dma_wait3A_45 = arith.constant 0 : i32
    %dma_wait3A_46 = tpu.memref_slice %arg4[%add3A_14, %dma_wait3A_45] : memref<25600x256xf32, #tpu.memory_space<hbm>> -> memref<80x256xf32, #tpu.memory_space<hbm>>
    tpu.wait_dma2 semaphore(%arg9 : memref<!tpu.dma_semaphore, #tpu.memory_space<semaphore_mem>>) src(%arg7 : memref<80x256xf32, #tpu.memory_space<vmem>>) dst(%dma_wait3A_46 : memref<80x256xf32, #tpu.memory_space<hbm>>)
    %dma_start3A_47 = arith.constant 0 : i32
    %dma_start3A_48 = arith.constant 0 : i32
    %dma_start3A_49 = tpu.memref_slice %arg2[%dma_start3A_47, %dma_start3A_48] : memref<100000x256xf32, #tpu.memory_space<hbm>> -> memref<100000x256xf32, #tpu.memory_space<hbm>>
    tpu.enqueue_indirect_dma source(%dma_start3A_49 : memref<100000x256xf32, #tpu.memory_space<hbm>>) target(%arg7 : memref<80x256xf32, #tpu.memory_space<vmem>>) offsets(%arg5 : memref<80xi32, #tpu.memory_space<vmem>>) semaphore(%arg8 : memref<!tpu.dma_semaphore, #tpu.memory_space<semaphore_mem>>)
    %dma_wait3A_50 = arith.constant 0 : i32
    %dma_wait3A_51 = arith.constant 0 : i32
    %dma_wait3A_52 = tpu.memref_slice %arg2[%dma_wait3A_50, %dma_wait3A_51] : memref<100000x256xf32, #tpu.memory_space<hbm>> -> memref<100000x256xf32, #tpu.memory_space<hbm>>
    tpu.wait_indirect_dma semaphore(%arg8 : memref<!tpu.dma_semaphore, #tpu.memory_space<semaphore_mem>>) src(%dma_wait3A_52 : memref<100000x256xf32, #tpu.memory_space<hbm>>) dst(%arg7 : memref<80x256xf32, #tpu.memory_space<vmem>>)
    %dma_start3A_53 = arith.constant 0 : i32
    %dma_start3A_54 = tpu.memref_slice %arg4[%add3A_42, %dma_start3A_53] : memref<25600x256xf32, #tpu.memory_space<hbm>> -> memref<80x256xf32, #tpu.memory_space<hbm>>
    %dma_start3A_55 = arith.constant 0 : i32
    %dma_start3A_56 = tpu.memref_slice %arg4[%add3A_42, %dma_start3A_55] : memref<25600x256xf32, #tpu.memory_space<hbm>> -> memref<80x256xf32, #tpu.memory_space<hbm>>
    tpu.enqueue_dma source(%arg7 : memref<80x256xf32, #tpu.memory_space<vmem>>) target(%dma_start3A_56 : memref<80x256xf32, #tpu.memory_space<hbm>>) target_semaphore(%arg9 : memref<!tpu.dma_semaphore, #tpu.memory_space<semaphore_mem>>)
    %add3A_57 = arith.constant 320 : i32
    %add3A_58 = arith.addi %mul3A_2, %add3A_57 : i32
    "tpu.region"() ({
      %run_scoped3A = tpu.sem_alloc : memref<!tpu.dma_semaphore, #tpu.memory_space<semaphore_mem>>
      %dma_start3A_161 = tpu.memref_slice %arg3[%add3A_58] : memref<25600xi32, #tpu.memory_space<hbm>> -> memref<80xi32, #tpu.memory_space<hbm>>
      %dma_start3A_162 = tpu.memref_slice %arg3[%add3A_58] : memref<25600xi32, #tpu.memory_space<hbm>> -> memref<80xi32, #tpu.memory_space<hbm>>
      tpu.enqueue_dma source(%dma_start3A_162 : memref<80xi32, #tpu.memory_space<hbm>>) target(%arg5 : memref<80xi32, #tpu.memory_space<vmem>>) target_semaphore(%run_scoped3A : memref<!tpu.dma_semaphore, #tpu.memory_space<semaphore_mem>>)
      %dma_wait3A_163 = tpu.memref_slice %arg3[%add3A_58] : memref<25600xi32, #tpu.memory_space<hbm>> -> memref<80xi32, #tpu.memory_space<hbm>>
      %dma_wait3A_164 = tpu.memref_slice %arg3[%add3A_58] : memref<25600xi32, #tpu.memory_space<hbm>> -> memref<80xi32, #tpu.memory_space<hbm>>
      tpu.wait_dma2 semaphore(%run_scoped3A : memref<!tpu.dma_semaphore, #tpu.memory_space<semaphore_mem>>) src(%dma_wait3A_164 : memref<80xi32, #tpu.memory_space<hbm>>) dst(%arg5 : memref<80xi32, #tpu.memory_space<vmem>>)
      tpu.yield
    }) : () -> ()
    %dma_wait3A_59 = arith.constant 0 : i32
    %dma_wait3A_60 = tpu.memref_slice %arg4[%add3A_26, %dma_wait3A_59] : memref<25600x256xf32, #tpu.memory_space<hbm>> -> memref<80x256xf32, #tpu.memory_space<hbm>>
    %dma_wait3A_61 = arith.constant 0 : i32
    %dma_wait3A_62 = tpu.memref_slice %arg4[%add3A_26, %dma_wait3A_61] : memref<25600x256xf32, #tpu.memory_space<hbm>> -> memref<80x256xf32, #tpu.memory_space<hbm>>
    tpu.wait_dma2 semaphore(%arg9 : memref<!tpu.dma_semaphore, #tpu.memory_space<semaphore_mem>>) src(%arg6 : memref<80x256xf32, #tpu.memory_space<vmem>>) dst(%dma_wait3A_62 : memref<80x256xf32, #tpu.memory_space<hbm>>)
    %dma_start3A_63 = arith.constant 0 : i32
    %dma_start3A_64 = arith.constant 0 : i32
    %dma_start3A_65 = tpu.memref_slice %arg2[%dma_start3A_63, %dma_start3A_64] : memref<100000x256xf32, #tpu.memory_space<hbm>> -> memref<100000x256xf32, #tpu.memory_space<hbm>>
    tpu.enqueue_indirect_dma source(%dma_start3A_65 : memref<100000x256xf32, #tpu.memory_space<hbm>>) target(%arg6 : memref<80x256xf32, #tpu.memory_space<vmem>>) offsets(%arg5 : memref<80xi32, #tpu.memory_space<vmem>>) semaphore(%arg8 : memref<!tpu.dma_semaphore, #tpu.memory_space<semaphore_mem>>)
    %dma_wait3A_66 = arith.constant 0 : i32
    %dma_wait3A_67 = arith.constant 0 : i32
    %dma_wait3A_68 = tpu.memref_slice %arg2[%dma_wait3A_66, %dma_wait3A_67] : memref<100000x256xf32, #tpu.memory_space<hbm>> -> memref<100000x256xf32, #tpu.memory_space<hbm>>
    tpu.wait_indirect_dma semaphore(%arg8 : memref<!tpu.dma_semaphore, #tpu.memory_space<semaphore_mem>>) src(%dma_wait3A_68 : memref<100000x256xf32, #tpu.memory_space<hbm>>) dst(%arg6 : memref<80x256xf32, #tpu.memory_space<vmem>>)
    %dma_start3A_69 = arith.constant 0 : i32
    %dma_start3A_70 = tpu.memref_slice %arg4[%add3A_58, %dma_start3A_69] : memref<25600x256xf32, #tpu.memory_space<hbm>> -> memref<80x256xf32, #tpu.memory_space<hbm>>
    %dma_start3A_71 = arith.constant 0 : i32
    %dma_start3A_72 = tpu.memref_slice %arg4[%add3A_58, %dma_start3A_71] : memref<25600x256xf32, #tpu.memory_space<hbm>> -> memref<80x256xf32, #tpu.memory_space<hbm>>
    tpu.enqueue_dma source(%arg6 : memref<80x256xf32, #tpu.memory_space<vmem>>) target(%dma_start3A_72 : memref<80x256xf32, #tpu.memory_space<hbm>>) target_semaphore(%arg9 : memref<!tpu.dma_semaphore, #tpu.memory_space<semaphore_mem>>)
    %add3A_73 = arith.constant 400 : i32
    %add3A_74 = arith.addi %mul3A_2, %add3A_73 : i32
    "tpu.region"() ({
      %run_scoped3A = tpu.sem_alloc : memref<!tpu.dma_semaphore, #tpu.memory_space<semaphore_mem>>
      %dma_start3A_161 = tpu.memref_slice %arg3[%add3A_74] : memref<25600xi32, #tpu.memory_space<hbm>> -> memref<80xi32, #tpu.memory_space<hbm>>
      %dma_start3A_162 = tpu.memref_slice %arg3[%add3A_74] : memref<25600xi32, #tpu.memory_space<hbm>> -> memref<80xi32, #tpu.memory_space<hbm>>
      tpu.enqueue_dma source(%dma_start3A_162 : memref<80xi32, #tpu.memory_space<hbm>>) target(%arg5 : memref<80xi32, #tpu.memory_space<vmem>>) target_semaphore(%run_scoped3A : memref<!tpu.dma_semaphore, #tpu.memory_space<semaphore_mem>>)
      %dma_wait3A_163 = tpu.memref_slice %arg3[%add3A_74] : memref<25600xi32, #tpu.memory_space<hbm>> -> memref<80xi32, #tpu.memory_space<hbm>>
      %dma_wait3A_164 = tpu.memref_slice %arg3[%add3A_74] : memref<25600xi32, #tpu.memory_space<hbm>> -> memref<80xi32, #tpu.memory_space<hbm>>
      tpu.wait_dma2 semaphore(%run_scoped3A : memref<!tpu.dma_semaphore, #tpu.memory_space<semaphore_mem>>) src(%dma_wait3A_164 : memref<80xi32, #tpu.memory_space<hbm>>) dst(%arg5 : memref<80xi32, #tpu.memory_space<vmem>>)
      tpu.yield
    }) : () -> ()
    %dma_wait3A_75 = arith.constant 0 : i32
    %dma_wait3A_76 = tpu.memref_slice %arg4[%add3A_42, %dma_wait3A_75] : memref<25600x256xf32, #tpu.memory_space<hbm>> -> memref<80x256xf32, #tpu.memory_space<hbm>>
    %dma_wait3A_77 = arith.constant 0 : i32
    %dma_wait3A_78 = tpu.memref_slice %arg4[%add3A_42, %dma_wait3A_77] : memref<25600x256xf32, #tpu.memory_space<hbm>> -> memref<80x256xf32, #tpu.memory_space<hbm>>
    tpu.wait_dma2 semaphore(%arg9 : memref<!tpu.dma_semaphore, #tpu.memory_space<semaphore_mem>>) src(%arg7 : memref<80x256xf32, #tpu.memory_space<vmem>>) dst(%dma_wait3A_78 : memref<80x256xf32, #tpu.memory_space<hbm>>)
    %dma_start3A_79 = arith.constant 0 : i32
    %dma_start3A_80 = arith.constant 0 : i32
    %dma_start3A_81 = tpu.memref_slice %arg2[%dma_start3A_79, %dma_start3A_80] : memref<100000x256xf32, #tpu.memory_space<hbm>> -> memref<100000x256xf32, #tpu.memory_space<hbm>>
    tpu.enqueue_indirect_dma source(%dma_start3A_81 : memref<100000x256xf32, #tpu.memory_space<hbm>>) target(%arg7 : memref<80x256xf32, #tpu.memory_space<vmem>>) offsets(%arg5 : memref<80xi32, #tpu.memory_space<vmem>>) semaphore(%arg8 : memref<!tpu.dma_semaphore, #tpu.memory_space<semaphore_mem>>)
    %dma_wait3A_82 = arith.constant 0 : i32
    %dma_wait3A_83 = arith.constant 0 : i32
    %dma_wait3A_84 = tpu.memref_slice %arg2[%dma_wait3A_82, %dma_wait3A_83] : memref<100000x256xf32, #tpu.memory_space<hbm>> -> memref<100000x256xf32, #tpu.memory_space<hbm>>
    tpu.wait_indirect_dma semaphore(%arg8 : memref<!tpu.dma_semaphore, #tpu.memory_space<semaphore_mem>>) src(%dma_wait3A_84 : memref<100000x256xf32, #tpu.memory_space<hbm>>) dst(%arg7 : memref<80x256xf32, #tpu.memory_space<vmem>>)
    %dma_start3A_85 = arith.constant 0 : i32
    %dma_start3A_86 = tpu.memref_slice %arg4[%add3A_74, %dma_start3A_85] : memref<25600x256xf32, #tpu.memory_space<hbm>> -> memref<80x256xf32, #tpu.memory_space<hbm>>
    %dma_start3A_87 = arith.constant 0 : i32
    %dma_start3A_88 = tpu.memref_slice %arg4[%add3A_74, %dma_start3A_87] : memref<25600x256xf32, #tpu.memory_space<hbm>> -> memref<80x256xf32, #tpu.memory_space<hbm>>
    tpu.enqueue_dma source(%arg7 : memref<80x256xf32, #tpu.memory_space<vmem>>) target(%dma_start3A_88 : memref<80x256xf32, #tpu.memory_space<hbm>>) target_semaphore(%arg9 : memref<!tpu.dma_semaphore, #tpu.memory_space<semaphore_mem>>)
    %add3A_89 = arith.constant 480 : i32
    %add3A_90 = arith.addi %mul3A_2, %add3A_89 : i32
    "tpu.region"() ({
      %run_scoped3A = tpu.sem_alloc : memref<!tpu.dma_semaphore, #tpu.memory_space<semaphore_mem>>
      %dma_start3A_161 = tpu.memref_slice %arg3[%add3A_90] : memref<25600xi32, #tpu.memory_space<hbm>> -> memref<80xi32, #tpu.memory_space<hbm>>
      %dma_start3A_162 = tpu.memref_slice %arg3[%add3A_90] : memref<25600xi32, #tpu.memory_space<hbm>> -> memref<80xi32, #tpu.memory_space<hbm>>
      tpu.enqueue_dma source(%dma_start3A_162 : memref<80xi32, #tpu.memory_space<hbm>>) target(%arg5 : memref<80xi32, #tpu.memory_space<vmem>>) target_semaphore(%run_scoped3A : memref<!tpu.dma_semaphore, #tpu.memory_space<semaphore_mem>>)
      %dma_wait3A_163 = tpu.memref_slice %arg3[%add3A_90] : memref<25600xi32, #tpu.memory_space<hbm>> -> memref<80xi32, #tpu.memory_space<hbm>>
      %dma_wait3A_164 = tpu.memref_slice %arg3[%add3A_90] : memref<25600xi32, #tpu.memory_space<hbm>> -> memref<80xi32, #tpu.memory_space<hbm>>
      tpu.wait_dma2 semaphore(%run_scoped3A : memref<!tpu.dma_semaphore, #tpu.memory_space<semaphore_mem>>) src(%dma_wait3A_164 : memref<80xi32, #tpu.memory_space<hbm>>) dst(%arg5 : memref<80xi32, #tpu.memory_space<vmem>>)
      tpu.yield
    }) : () -> ()
    %dma_wait3A_91 = arith.constant 0 : i32
    %dma_wait3A_92 = tpu.memref_slice %arg4[%add3A_58, %dma_wait3A_91] : memref<25600x256xf32, #tpu.memory_space<hbm>> -> memref<80x256xf32, #tpu.memory_space<hbm>>
    %dma_wait3A_93 = arith.constant 0 : i32
    %dma_wait3A_94 = tpu.memref_slice %arg4[%add3A_58, %dma_wait3A_93] : memref<25600x256xf32, #tpu.memory_space<hbm>> -> memref<80x256xf32, #tpu.memory_space<hbm>>
    tpu.wait_dma2 semaphore(%arg9 : memref<!tpu.dma_semaphore, #tpu.memory_space<semaphore_mem>>) src(%arg6 : memref<80x256xf32, #tpu.memory_space<vmem>>) dst(%dma_wait3A_94 : memref<80x256xf32, #tpu.memory_space<hbm>>)
    %dma_start3A_95 = arith.constant 0 : i32
    %dma_start3A_96 = arith.constant 0 : i32
    %dma_start3A_97 = tpu.memref_slice %arg2[%dma_start3A_95, %dma_start3A_96] : memref<100000x256xf32, #tpu.memory_space<hbm>> -> memref<100000x256xf32, #tpu.memory_space<hbm>>
    tpu.enqueue_indirect_dma source(%dma_start3A_97 : memref<100000x256xf32, #tpu.memory_space<hbm>>) target(%arg6 : memref<80x256xf32, #tpu.memory_space<vmem>>) offsets(%arg5 : memref<80xi32, #tpu.memory_space<vmem>>) semaphore(%arg8 : memref<!tpu.dma_semaphore, #tpu.memory_space<semaphore_mem>>)
    %dma_wait3A_98 = arith.constant 0 : i32
    %dma_wait3A_99 = arith.constant 0 : i32
    %dma_wait3A_100 = tpu.memref_slice %arg2[%dma_wait3A_98, %dma_wait3A_99] : memref<100000x256xf32, #tpu.memory_space<hbm>> -> memref<100000x256xf32, #tpu.memory_space<hbm>>
    tpu.wait_indirect_dma semaphore(%arg8 : memref<!tpu.dma_semaphore, #tpu.memory_space<semaphore_mem>>) src(%dma_wait3A_100 : memref<100000x256xf32, #tpu.memory_space<hbm>>) dst(%arg6 : memref<80x256xf32, #tpu.memory_space<vmem>>)
    %dma_start3A_101 = arith.constant 0 : i32
    %dma_start3A_102 = tpu.memref_slice %arg4[%add3A_90, %dma_start3A_101] : memref<25600x256xf32, #tpu.memory_space<hbm>> -> memref<80x256xf32, #tpu.memory_space<hbm>>
    %dma_start3A_103 = arith.constant 0 : i32
    %dma_start3A_104 = tpu.memref_slice %arg4[%add3A_90, %dma_start3A_103] : memref<25600x256xf32, #tpu.memory_space<hbm>> -> memref<80x256xf32, #tpu.memory_space<hbm>>
    tpu.enqueue_dma source(%arg6 : memref<80x256xf32, #tpu.memory_space<vmem>>) target(%dma_start3A_104 : memref<80x256xf32, #tpu.memory_space<hbm>>) target_semaphore(%arg9 : memref<!tpu.dma_semaphore, #tpu.memory_space<semaphore_mem>>)
    %add3A_105 = arith.constant 560 : i32
    %add3A_106 = arith.addi %mul3A_2, %add3A_105 : i32
    "tpu.region"() ({
      %run_scoped3A = tpu.sem_alloc : memref<!tpu.dma_semaphore, #tpu.memory_space<semaphore_mem>>
      %dma_start3A_161 = tpu.memref_slice %arg3[%add3A_106] : memref<25600xi32, #tpu.memory_space<hbm>> -> memref<80xi32, #tpu.memory_space<hbm>>
      %dma_start3A_162 = tpu.memref_slice %arg3[%add3A_106] : memref<25600xi32, #tpu.memory_space<hbm>> -> memref<80xi32, #tpu.memory_space<hbm>>
      tpu.enqueue_dma source(%dma_start3A_162 : memref<80xi32, #tpu.memory_space<hbm>>) target(%arg5 : memref<80xi32, #tpu.memory_space<vmem>>) target_semaphore(%run_scoped3A : memref<!tpu.dma_semaphore, #tpu.memory_space<semaphore_mem>>)
      %dma_wait3A_163 = tpu.memref_slice %arg3[%add3A_106] : memref<25600xi32, #tpu.memory_space<hbm>> -> memref<80xi32, #tpu.memory_space<hbm>>
      %dma_wait3A_164 = tpu.memref_slice %arg3[%add3A_106] : memref<25600xi32, #tpu.memory_space<hbm>> -> memref<80xi32, #tpu.memory_space<hbm>>
      tpu.wait_dma2 semaphore(%run_scoped3A : memref<!tpu.dma_semaphore, #tpu.memory_space<semaphore_mem>>) src(%dma_wait3A_164 : memref<80xi32, #tpu.memory_space<hbm>>) dst(%arg5 : memref<80xi32, #tpu.memory_space<vmem>>)
      tpu.yield
    }) : () -> ()
    %dma_wait3A_107 = arith.constant 0 : i32
    %dma_wait3A_108 = tpu.memref_slice %arg4[%add3A_74, %dma_wait3A_107] : memref<25600x256xf32, #tpu.memory_space<hbm>> -> memref<80x256xf32, #tpu.memory_space<hbm>>
    %dma_wait3A_109 = arith.constant 0 : i32
    %dma_wait3A_110 = tpu.memref_slice %arg4[%add3A_74, %dma_wait3A_109] : memref<25600x256xf32, #tpu.memory_space<hbm>> -> memref<80x256xf32, #tpu.memory_space<hbm>>
    tpu.wait_dma2 semaphore(%arg9 : memref<!tpu.dma_semaphore, #tpu.memory_space<semaphore_mem>>) src(%arg7 : memref<80x256xf32, #tpu.memory_space<vmem>>) dst(%dma_wait3A_110 : memref<80x256xf32, #tpu.memory_space<hbm>>)
    %dma_start3A_111 = arith.constant 0 : i32
    %dma_start3A_112 = arith.constant 0 : i32
    %dma_start3A_113 = tpu.memref_slice %arg2[%dma_start3A_111, %dma_start3A_112] : memref<100000x256xf32, #tpu.memory_space<hbm>> -> memref<100000x256xf32, #tpu.memory_space<hbm>>
    tpu.enqueue_indirect_dma source(%dma_start3A_113 : memref<100000x256xf32, #tpu.memory_space<hbm>>) target(%arg7 : memref<80x256xf32, #tpu.memory_space<vmem>>) offsets(%arg5 : memref<80xi32, #tpu.memory_space<vmem>>) semaphore(%arg8 : memref<!tpu.dma_semaphore, #tpu.memory_space<semaphore_mem>>)
    %dma_wait3A_114 = arith.constant 0 : i32
    %dma_wait3A_115 = arith.constant 0 : i32
    %dma_wait3A_116 = tpu.memref_slice %arg2[%dma_wait3A_114, %dma_wait3A_115] : memref<100000x256xf32, #tpu.memory_space<hbm>> -> memref<100000x256xf32, #tpu.memory_space<hbm>>
    tpu.wait_indirect_dma semaphore(%arg8 : memref<!tpu.dma_semaphore, #tpu.memory_space<semaphore_mem>>) src(%dma_wait3A_116 : memref<100000x256xf32, #tpu.memory_space<hbm>>) dst(%arg7 : memref<80x256xf32, #tpu.memory_space<vmem>>)
    %dma_start3A_117 = arith.constant 0 : i32
    %dma_start3A_118 = tpu.memref_slice %arg4[%add3A_106, %dma_start3A_117] : memref<25600x256xf32, #tpu.memory_space<hbm>> -> memref<80x256xf32, #tpu.memory_space<hbm>>
    %dma_start3A_119 = arith.constant 0 : i32
    %dma_start3A_120 = tpu.memref_slice %arg4[%add3A_106, %dma_start3A_119] : memref<25600x256xf32, #tpu.memory_space<hbm>> -> memref<80x256xf32, #tpu.memory_space<hbm>>
    tpu.enqueue_dma source(%arg7 : memref<80x256xf32, #tpu.memory_space<vmem>>) target(%dma_start3A_120 : memref<80x256xf32, #tpu.memory_space<hbm>>) target_semaphore(%arg9 : memref<!tpu.dma_semaphore, #tpu.memory_space<semaphore_mem>>)
    %add3A_121 = arith.constant 640 : i32
    %add3A_122 = arith.addi %mul3A_2, %add3A_121 : i32
    "tpu.region"() ({
      %run_scoped3A = tpu.sem_alloc : memref<!tpu.dma_semaphore, #tpu.memory_space<semaphore_mem>>
      %dma_start3A_161 = tpu.memref_slice %arg3[%add3A_122] : memref<25600xi32, #tpu.memory_space<hbm>> -> memref<80xi32, #tpu.memory_space<hbm>>
      %dma_start3A_162 = tpu.memref_slice %arg3[%add3A_122] : memref<25600xi32, #tpu.memory_space<hbm>> -> memref<80xi32, #tpu.memory_space<hbm>>
      tpu.enqueue_dma source(%dma_start3A_162 : memref<80xi32, #tpu.memory_space<hbm>>) target(%arg5 : memref<80xi32, #tpu.memory_space<vmem>>) target_semaphore(%run_scoped3A : memref<!tpu.dma_semaphore, #tpu.memory_space<semaphore_mem>>)
      %dma_wait3A_163 = tpu.memref_slice %arg3[%add3A_122] : memref<25600xi32, #tpu.memory_space<hbm>> -> memref<80xi32, #tpu.memory_space<hbm>>
      %dma_wait3A_164 = tpu.memref_slice %arg3[%add3A_122] : memref<25600xi32, #tpu.memory_space<hbm>> -> memref<80xi32, #tpu.memory_space<hbm>>
      tpu.wait_dma2 semaphore(%run_scoped3A : memref<!tpu.dma_semaphore, #tpu.memory_space<semaphore_mem>>) src(%dma_wait3A_164 : memref<80xi32, #tpu.memory_space<hbm>>) dst(%arg5 : memref<80xi32, #tpu.memory_space<vmem>>)
      tpu.yield
    }) : () -> ()
    %dma_wait3A_123 = arith.constant 0 : i32
    %dma_wait3A_124 = tpu.memref_slice %arg4[%add3A_90, %dma_wait3A_123] : memref<25600x256xf32, #tpu.memory_space<hbm>> -> memref<80x256xf32, #tpu.memory_space<hbm>>
    %dma_wait3A_125 = arith.constant 0 : i32
    %dma_wait3A_126 = tpu.memref_slice %arg4[%add3A_90, %dma_wait3A_125] : memref<25600x256xf32, #tpu.memory_space<hbm>> -> memref<80x256xf32, #tpu.memory_space<hbm>>
    tpu.wait_dma2 semaphore(%arg9 : memref<!tpu.dma_semaphore, #tpu.memory_space<semaphore_mem>>) src(%arg6 : memref<80x256xf32, #tpu.memory_space<vmem>>) dst(%dma_wait3A_126 : memref<80x256xf32, #tpu.memory_space<hbm>>)
    %dma_start3A_127 = arith.constant 0 : i32
    %dma_start3A_128 = arith.constant 0 : i32
    %dma_start3A_129 = tpu.memref_slice %arg2[%dma_start3A_127, %dma_start3A_128] : memref<100000x256xf32, #tpu.memory_space<hbm>> -> memref<100000x256xf32, #tpu.memory_space<hbm>>
    tpu.enqueue_indirect_dma source(%dma_start3A_129 : memref<100000x256xf32, #tpu.memory_space<hbm>>) target(%arg6 : memref<80x256xf32, #tpu.memory_space<vmem>>) offsets(%arg5 : memref<80xi32, #tpu.memory_space<vmem>>) semaphore(%arg8 : memref<!tpu.dma_semaphore, #tpu.memory_space<semaphore_mem>>)
    %dma_wait3A_130 = arith.constant 0 : i32
    %dma_wait3A_131 = arith.constant 0 : i32
    %dma_wait3A_132 = tpu.memref_slice %arg2[%dma_wait3A_130, %dma_wait3A_131] : memref<100000x256xf32, #tpu.memory_space<hbm>> -> memref<100000x256xf32, #tpu.memory_space<hbm>>
    tpu.wait_indirect_dma semaphore(%arg8 : memref<!tpu.dma_semaphore, #tpu.memory_space<semaphore_mem>>) src(%dma_wait3A_132 : memref<100000x256xf32, #tpu.memory_space<hbm>>) dst(%arg6 : memref<80x256xf32, #tpu.memory_space<vmem>>)
    %dma_start3A_133 = arith.constant 0 : i32
    %dma_start3A_134 = tpu.memref_slice %arg4[%add3A_122, %dma_start3A_133] : memref<25600x256xf32, #tpu.memory_space<hbm>> -> memref<80x256xf32, #tpu.memory_space<hbm>>
    %dma_start3A_135 = arith.constant 0 : i32
    %dma_start3A_136 = tpu.memref_slice %arg4[%add3A_122, %dma_start3A_135] : memref<25600x256xf32, #tpu.memory_space<hbm>> -> memref<80x256xf32, #tpu.memory_space<hbm>>
    tpu.enqueue_dma source(%arg6 : memref<80x256xf32, #tpu.memory_space<vmem>>) target(%dma_start3A_136 : memref<80x256xf32, #tpu.memory_space<hbm>>) target_semaphore(%arg9 : memref<!tpu.dma_semaphore, #tpu.memory_space<semaphore_mem>>)
    %add3A_137 = arith.constant 720 : i32
    %add3A_138 = arith.addi %mul3A_2, %add3A_137 : i32
    "tpu.region"() ({
      %run_scoped3A = tpu.sem_alloc : memref<!tpu.dma_semaphore, #tpu.memory_space<semaphore_mem>>
      %dma_start3A_161 = tpu.memref_slice %arg3[%add3A_138] : memref<25600xi32, #tpu.memory_space<hbm>> -> memref<80xi32, #tpu.memory_space<hbm>>
      %dma_start3A_162 = tpu.memref_slice %arg3[%add3A_138] : memref<25600xi32, #tpu.memory_space<hbm>> -> memref<80xi32, #tpu.memory_space<hbm>>
      tpu.enqueue_dma source(%dma_start3A_162 : memref<80xi32, #tpu.memory_space<hbm>>) target(%arg5 : memref<80xi32, #tpu.memory_space<vmem>>) target_semaphore(%run_scoped3A : memref<!tpu.dma_semaphore, #tpu.memory_space<semaphore_mem>>)
      %dma_wait3A_163 = tpu.memref_slice %arg3[%add3A_138] : memref<25600xi32, #tpu.memory_space<hbm>> -> memref<80xi32, #tpu.memory_space<hbm>>
      %dma_wait3A_164 = tpu.memref_slice %arg3[%add3A_138] : memref<25600xi32, #tpu.memory_space<hbm>> -> memref<80xi32, #tpu.memory_space<hbm>>
      tpu.wait_dma2 semaphore(%run_scoped3A : memref<!tpu.dma_semaphore, #tpu.memory_space<semaphore_mem>>) src(%dma_wait3A_164 : memref<80xi32, #tpu.memory_space<hbm>>) dst(%arg5 : memref<80xi32, #tpu.memory_space<vmem>>)
      tpu.yield
    }) : () -> ()
    %dma_wait3A_139 = arith.constant 0 : i32
    %dma_wait3A_140 = tpu.memref_slice %arg4[%add3A_106, %dma_wait3A_139] : memref<25600x256xf32, #tpu.memory_space<hbm>> -> memref<80x256xf32, #tpu.memory_space<hbm>>
    %dma_wait3A_141 = arith.constant 0 : i32
    %dma_wait3A_142 = tpu.memref_slice %arg4[%add3A_106, %dma_wait3A_141] : memref<25600x256xf32, #tpu.memory_space<hbm>> -> memref<80x256xf32, #tpu.memory_space<hbm>>
    tpu.wait_dma2 semaphore(%arg9 : memref<!tpu.dma_semaphore, #tpu.memory_space<semaphore_mem>>) src(%arg7 : memref<80x256xf32, #tpu.memory_space<vmem>>) dst(%dma_wait3A_142 : memref<80x256xf32, #tpu.memory_space<hbm>>)
    %dma_start3A_143 = arith.constant 0 : i32
    %dma_start3A_144 = arith.constant 0 : i32
    %dma_start3A_145 = tpu.memref_slice %arg2[%dma_start3A_143, %dma_start3A_144] : memref<100000x256xf32, #tpu.memory_space<hbm>> -> memref<100000x256xf32, #tpu.memory_space<hbm>>
    tpu.enqueue_indirect_dma source(%dma_start3A_145 : memref<100000x256xf32, #tpu.memory_space<hbm>>) target(%arg7 : memref<80x256xf32, #tpu.memory_space<vmem>>) offsets(%arg5 : memref<80xi32, #tpu.memory_space<vmem>>) semaphore(%arg8 : memref<!tpu.dma_semaphore, #tpu.memory_space<semaphore_mem>>)
    %dma_wait3A_146 = arith.constant 0 : i32
    %dma_wait3A_147 = arith.constant 0 : i32
    %dma_wait3A_148 = tpu.memref_slice %arg2[%dma_wait3A_146, %dma_wait3A_147] : memref<100000x256xf32, #tpu.memory_space<hbm>> -> memref<100000x256xf32, #tpu.memory_space<hbm>>
    tpu.wait_indirect_dma semaphore(%arg8 : memref<!tpu.dma_semaphore, #tpu.memory_space<semaphore_mem>>) src(%dma_wait3A_148 : memref<100000x256xf32, #tpu.memory_space<hbm>>) dst(%arg7 : memref<80x256xf32, #tpu.memory_space<vmem>>)
    %dma_start3A_149 = arith.constant 0 : i32
    %dma_start3A_150 = tpu.memref_slice %arg4[%add3A_138, %dma_start3A_149] : memref<25600x256xf32, #tpu.memory_space<hbm>> -> memref<80x256xf32, #tpu.memory_space<hbm>>
    %dma_start3A_151 = arith.constant 0 : i32
    %dma_start3A_152 = tpu.memref_slice %arg4[%add3A_138, %dma_start3A_151] : memref<25600x256xf32, #tpu.memory_space<hbm>> -> memref<80x256xf32, #tpu.memory_space<hbm>>
    tpu.enqueue_dma source(%arg7 : memref<80x256xf32, #tpu.memory_space<vmem>>) target(%dma_start3A_152 : memref<80x256xf32, #tpu.memory_space<hbm>>) target_semaphore(%arg9 : memref<!tpu.dma_semaphore, #tpu.memory_space<semaphore_mem>>)
    %dma_wait3A_153 = arith.constant 0 : i32
    %dma_wait3A_154 = tpu.memref_slice %arg4[%add3A_122, %dma_wait3A_153] : memref<25600x256xf32, #tpu.memory_space<hbm>> -> memref<80x256xf32, #tpu.memory_space<hbm>>
    %dma_wait3A_155 = arith.constant 0 : i32
    %dma_wait3A_156 = tpu.memref_slice %arg4[%add3A_122, %dma_wait3A_155] : memref<25600x256xf32, #tpu.memory_space<hbm>> -> memref<80x256xf32, #tpu.memory_space<hbm>>
    tpu.wait_dma2 semaphore(%arg9 : memref<!tpu.dma_semaphore, #tpu.memory_space<semaphore_mem>>) src(%arg6 : memref<80x256xf32, #tpu.memory_space<vmem>>) dst(%dma_wait3A_156 : memref<80x256xf32, #tpu.memory_space<hbm>>)
    %dma_wait3A_157 = arith.constant 0 : i32
    %dma_wait3A_158 = tpu.memref_slice %arg4[%add3A_138, %dma_wait3A_157] : memref<25600x256xf32, #tpu.memory_space<hbm>> -> memref<80x256xf32, #tpu.memory_space<hbm>>
    %dma_wait3A_159 = arith.constant 0 : i32
    %dma_wait3A_160 = tpu.memref_slice %arg4[%add3A_138, %dma_wait3A_159] : memref<25600x256xf32, #tpu.memory_space<hbm>> -> memref<80x256xf32, #tpu.memory_space<hbm>>
    tpu.wait_dma2 semaphore(%arg9 : memref<!tpu.dma_semaphore, #tpu.memory_space<semaphore_mem>>) src(%arg7 : memref<80x256xf32, #tpu.memory_space<vmem>>) dst(%dma_wait3A_160 : memref<80x256xf32, #tpu.memory_space<hbm>>)
    return
  }
}

module attributes {stable_mosaic.version = 14 : i64} {
  func.func @_tc_body(%arg0: i32, %arg1: memref<2x400x256xf32, #tpu.memory_space<vmem>>, %arg2: memref<2x1x256xf32, #tpu.memory_space<vmem>>, %arg3: memref<2x1x400xi32, #tpu.memory_space<vmem>>, %arg4: memref<2x1x400xi32, #tpu.memory_space<vmem>>, %arg5: memref<2x1x400xf32, #tpu.memory_space<vmem>>, %arg6: memref<2x1x400xi32, #tpu.memory_space<vmem>>, %arg7: memref<2x400x256xf32, #tpu.memory_space<vmem>>) attributes {dimension_semantics = [#tpu.dimension_semantics<arbitrary>], iteration_bounds = array<i64: 32>, scalar_prefetch = 0 : i64, scratch_operands = 0 : i64, tpu.core_type = #tpu.core_type<tc>, window_params = [{transform_indices = @transform_0, window_bounds = array<i64: 2, 400, 256>}, {transform_indices = @transform_1, window_bounds = array<i64: 2, 1, 256>}, {transform_indices = @transform_2, window_bounds = array<i64: 2, 1, 400>}, {transform_indices = @transform_3, window_bounds = array<i64: 2, 1, 400>}, {transform_indices = @transform_4, window_bounds = array<i64: 2, 1, 400>}, {transform_indices = @transform_5, window_bounds = array<i64: 2, 1, 400>}, {transform_indices = @transform_6, window_bounds = array<i64: 2, 400, 256>}]} {
    %get3A = arith.constant 0 : index
    %get3A_0 = arith.constant 0 : index
    %get3A_1 = arith.constant 0 : index
    %get3A_2 = vector.load %arg1[%get3A, %get3A_0, %get3A_1] : memref<2x400x256xf32, #tpu.memory_space<vmem>>, vector<1x400x256xf32>
    %get3A_3 = vector.shape_cast %get3A_2 : vector<1x400x256xf32> to vector<400x256xf32>
    %get3A_4 = arith.constant 0 : index
    %get3A_5 = arith.constant 0 : index
    %get3A_6 = arith.constant 0 : index
    %get3A_7 = vector.load %arg2[%get3A_4, %get3A_5, %get3A_6] : memref<2x1x256xf32, #tpu.memory_space<vmem>>, vector<1x1x256xf32>
    %get3A_8 = vector.shape_cast %get3A_7 : vector<1x1x256xf32> to vector<1x256xf32>
    %get3A_9 = arith.constant 0 : index
    %get3A_10 = arith.constant 0 : index
    %get3A_11 = arith.constant 0 : index
    %get3A_12 = vector.load %arg3[%get3A_9, %get3A_10, %get3A_11] : memref<2x1x400xi32, #tpu.memory_space<vmem>>, vector<1x1x400xi32>
    %get3A_13 = vector.shape_cast %get3A_12 : vector<1x1x400xi32> to vector<1x400xi32>
    %iota3A = tpu.iota {dimensions = array<i32: 1>} : vector<400x400xi32>
    %iota3A_14 = tpu.iota {dimensions = array<i32: 0>} : vector<400x400xi32>
    %dot_general3A = arith.constant dense<0.000000e+00> : vector<400x400xf32>
    %dot_general3A_15 = tpu.matmul %get3A_3, %get3A_3, %dot_general3A {dimension_numbers = #tpu.dot_dimension_numbers<[1], [1], [0], [0], [0, 0, 1, 0], [], []>, transpose_lhs_hint = false} : vector<400x256xf32>, vector<400x256xf32>, vector<400x400xf32> -> vector<400x400xf32>
    %reduce_max3A = arith.constant dense<0xFF800000> : vector<400xf32>
    %reduce_max3A_16 = vector.multi_reduction <maximumf>, %dot_general3A_15, %reduce_max3A [1] : vector<400x400xf32> to vector<400xf32>
    %broadcast_in_dim3A = vector.shape_cast %reduce_max3A_16 : vector<400xf32> to vector<400x1xf32>
    %eq3A = vector.broadcast %broadcast_in_dim3A : vector<400x1xf32> to vector<400x400xf32>
    %eq3A_17 = arith.cmpf oeq, %dot_general3A_15, %eq3A : vector<400x400xf32>
    %jit3A = arith.constant 400 : i32
    %broadcast_in_dim3A_18 = vector.broadcast %jit3A : i32 to vector<400x400xi32>
    %select_n3A = arith.select %eq3A_17, %iota3A, %broadcast_in_dim3A_18 : vector<400x400xi1>, vector<400x400xi32>
    %reduce_min3A = arith.constant dense<2147483647> : vector<400xi32>
    %reduce_min3A_19 = vector.multi_reduction <minsi>, %select_n3A, %reduce_min3A [1] : vector<400x400xi32> to vector<400xi32>
    %broadcast_in_dim3A_20 = vector.shape_cast %reduce_min3A_19 : vector<400xi32> to vector<400x1xi32>
    %eq3A_21 = vector.broadcast %broadcast_in_dim3A_20 : vector<400x1xi32> to vector<400x400xi32>
    %eq3A_22 = arith.cmpi eq, %iota3A, %eq3A_21 : vector<400x400xi32>
    %broadcast_in_dim3A_23 = arith.constant 1.000000e+00 : f32
    %broadcast_in_dim3A_24 = vector.broadcast %broadcast_in_dim3A_23 : f32 to vector<400x1xf32>
    %jit3A_25 = arith.constant 0xFF800000 : f32
    %broadcast_in_dim3A_26 = vector.broadcast %jit3A_25 : f32 to vector<400x400xf32>
    %select_n3A_27 = arith.select %eq3A_22, %broadcast_in_dim3A_26, %dot_general3A_15 : vector<400x400xi1>, vector<400x400xf32>
    %reduce_max3A_28 = arith.constant dense<0xFF800000> : vector<400xf32>
    %reduce_max3A_29 = vector.multi_reduction <maximumf>, %select_n3A_27, %reduce_max3A_28 [1] : vector<400x400xf32> to vector<400xf32>
    %broadcast_in_dim3A_30 = vector.shape_cast %reduce_max3A_29 : vector<400xf32> to vector<400x1xf32>
    %eq3A_31 = vector.broadcast %broadcast_in_dim3A_30 : vector<400x1xf32> to vector<400x400xf32>
    %eq3A_32 = arith.cmpf oeq, %select_n3A_27, %eq3A_31 : vector<400x400xf32>
    %jit3A_33 = arith.constant 400 : i32
    %broadcast_in_dim3A_34 = vector.broadcast %jit3A_33 : i32 to vector<400x400xi32>
    %select_n3A_35 = arith.select %eq3A_32, %iota3A, %broadcast_in_dim3A_34 : vector<400x400xi1>, vector<400x400xi32>
    %reduce_min3A_36 = arith.constant dense<2147483647> : vector<400xi32>
    %reduce_min3A_37 = vector.multi_reduction <minsi>, %select_n3A_35, %reduce_min3A_36 [1] : vector<400x400xi32> to vector<400xi32>
    %broadcast_in_dim3A_38 = vector.shape_cast %reduce_min3A_37 : vector<400xi32> to vector<400x1xi32>
    %eq3A_39 = vector.broadcast %broadcast_in_dim3A_38 : vector<400x1xi32> to vector<400x400xi32>
    %eq3A_40 = arith.cmpi eq, %iota3A, %eq3A_39 : vector<400x400xi32>
    %mul3A = arith.constant 1.500000e-01 : f32
    %mul3A_41 = vector.broadcast %mul3A : f32 to vector<400x1xf32>
    %mul3A_42 = arith.mulf %mul3A_41, %broadcast_in_dim3A_30 : vector<400x1xf32>
    %jit3A_43 = arith.constant 0xFF800000 : f32
    %broadcast_in_dim3A_44 = vector.broadcast %jit3A_43 : f32 to vector<400x400xf32>
    %select_n3A_45 = arith.select %eq3A_40, %broadcast_in_dim3A_44, %select_n3A_27 : vector<400x400xi1>, vector<400x400xf32>
    %reduce_max3A_46 = arith.constant dense<0xFF800000> : vector<400xf32>
    %reduce_max3A_47 = vector.multi_reduction <maximumf>, %select_n3A_45, %reduce_max3A_46 [1] : vector<400x400xf32> to vector<400xf32>
    %broadcast_in_dim3A_48 = vector.shape_cast %reduce_max3A_47 : vector<400xf32> to vector<400x1xf32>
    %eq3A_49 = vector.broadcast %broadcast_in_dim3A_48 : vector<400x1xf32> to vector<400x400xf32>
    %eq3A_50 = arith.cmpf oeq, %select_n3A_45, %eq3A_49 : vector<400x400xf32>
    %jit3A_51 = arith.constant 400 : i32
    %broadcast_in_dim3A_52 = vector.broadcast %jit3A_51 : i32 to vector<400x400xi32>
    %select_n3A_53 = arith.select %eq3A_50, %iota3A, %broadcast_in_dim3A_52 : vector<400x400xi1>, vector<400x400xi32>
    %reduce_min3A_54 = arith.constant dense<2147483647> : vector<400xi32>
    %reduce_min3A_55 = vector.multi_reduction <minsi>, %select_n3A_53, %reduce_min3A_54 [1] : vector<400x400xi32> to vector<400xi32>
    %broadcast_in_dim3A_56 = vector.shape_cast %reduce_min3A_55 : vector<400xi32> to vector<400x1xi32>
    %eq3A_57 = vector.broadcast %broadcast_in_dim3A_56 : vector<400x1xi32> to vector<400x400xi32>
    %eq3A_58 = arith.cmpi eq, %iota3A, %eq3A_57 : vector<400x400xi32>
    %mul3A_59 = arith.constant 1.500000e-01 : f32
    %mul3A_60 = vector.broadcast %mul3A_59 : f32 to vector<400x1xf32>
    %mul3A_61 = arith.mulf %mul3A_60, %broadcast_in_dim3A_48 : vector<400x1xf32>
    %jit3A_62 = arith.constant 0xFF800000 : f32
    %broadcast_in_dim3A_63 = vector.broadcast %jit3A_62 : f32 to vector<400x400xf32>
    %select_n3A_64 = arith.select %eq3A_58, %broadcast_in_dim3A_63, %select_n3A_45 : vector<400x400xi1>, vector<400x400xf32>
    %reduce_max3A_65 = arith.constant dense<0xFF800000> : vector<400xf32>
    %reduce_max3A_66 = vector.multi_reduction <maximumf>, %select_n3A_64, %reduce_max3A_65 [1] : vector<400x400xf32> to vector<400xf32>
    %broadcast_in_dim3A_67 = vector.shape_cast %reduce_max3A_66 : vector<400xf32> to vector<400x1xf32>
    %eq3A_68 = vector.broadcast %broadcast_in_dim3A_67 : vector<400x1xf32> to vector<400x400xf32>
    %eq3A_69 = arith.cmpf oeq, %select_n3A_64, %eq3A_68 : vector<400x400xf32>
    %jit3A_70 = arith.constant 400 : i32
    %broadcast_in_dim3A_71 = vector.broadcast %jit3A_70 : i32 to vector<400x400xi32>
    %select_n3A_72 = arith.select %eq3A_69, %iota3A, %broadcast_in_dim3A_71 : vector<400x400xi1>, vector<400x400xi32>
    %reduce_min3A_73 = arith.constant dense<2147483647> : vector<400xi32>
    %reduce_min3A_74 = vector.multi_reduction <minsi>, %select_n3A_72, %reduce_min3A_73 [1] : vector<400x400xi32> to vector<400xi32>
    %broadcast_in_dim3A_75 = vector.shape_cast %reduce_min3A_74 : vector<400xi32> to vector<400x1xi32>
    %eq3A_76 = vector.broadcast %broadcast_in_dim3A_75 : vector<400x1xi32> to vector<400x400xi32>
    %eq3A_77 = arith.cmpi eq, %iota3A, %eq3A_76 : vector<400x400xi32>
    %mul3A_78 = arith.constant 1.500000e-01 : f32
    %mul3A_79 = vector.broadcast %mul3A_78 : f32 to vector<400x1xf32>
    %mul3A_80 = arith.mulf %mul3A_79, %broadcast_in_dim3A_67 : vector<400x1xf32>
    %jit3A_81 = arith.constant 0xFF800000 : f32
    %broadcast_in_dim3A_82 = vector.broadcast %jit3A_81 : f32 to vector<400x400xf32>
    %select_n3A_83 = arith.select %eq3A_77, %broadcast_in_dim3A_82, %select_n3A_64 : vector<400x400xi1>, vector<400x400xf32>
    %reduce_max3A_84 = arith.constant dense<0xFF800000> : vector<400xf32>
    %reduce_max3A_85 = vector.multi_reduction <maximumf>, %select_n3A_83, %reduce_max3A_84 [1] : vector<400x400xf32> to vector<400xf32>
    %broadcast_in_dim3A_86 = vector.shape_cast %reduce_max3A_85 : vector<400xf32> to vector<400x1xf32>
    %eq3A_87 = vector.broadcast %broadcast_in_dim3A_86 : vector<400x1xf32> to vector<400x400xf32>
    %eq3A_88 = arith.cmpf oeq, %select_n3A_83, %eq3A_87 : vector<400x400xf32>
    %jit3A_89 = arith.constant 400 : i32
    %broadcast_in_dim3A_90 = vector.broadcast %jit3A_89 : i32 to vector<400x400xi32>
    %select_n3A_91 = arith.select %eq3A_88, %iota3A, %broadcast_in_dim3A_90 : vector<400x400xi1>, vector<400x400xi32>
    %reduce_min3A_92 = arith.constant dense<2147483647> : vector<400xi32>
    %reduce_min3A_93 = vector.multi_reduction <minsi>, %select_n3A_91, %reduce_min3A_92 [1] : vector<400x400xi32> to vector<400xi32>
    %broadcast_in_dim3A_94 = vector.shape_cast %reduce_min3A_93 : vector<400xi32> to vector<400x1xi32>
    %eq3A_95 = vector.broadcast %broadcast_in_dim3A_94 : vector<400x1xi32> to vector<400x400xi32>
    %eq3A_96 = arith.cmpi eq, %iota3A, %eq3A_95 : vector<400x400xi32>
    %mul3A_97 = arith.constant 1.500000e-01 : f32
    %mul3A_98 = vector.broadcast %mul3A_97 : f32 to vector<400x1xf32>
    %mul3A_99 = arith.mulf %mul3A_98, %broadcast_in_dim3A_86 : vector<400x1xf32>
    %jit3A_100 = arith.constant 0xFF800000 : f32
    %broadcast_in_dim3A_101 = vector.broadcast %jit3A_100 : f32 to vector<400x400xf32>
    %select_n3A_102 = arith.select %eq3A_96, %broadcast_in_dim3A_101, %select_n3A_83 : vector<400x400xi1>, vector<400x400xf32>
    %reduce_max3A_103 = arith.constant dense<0xFF800000> : vector<400xf32>
    %reduce_max3A_104 = vector.multi_reduction <maximumf>, %select_n3A_102, %reduce_max3A_103 [1] : vector<400x400xf32> to vector<400xf32>
    %broadcast_in_dim3A_105 = vector.shape_cast %reduce_max3A_104 : vector<400xf32> to vector<400x1xf32>
    %eq3A_106 = vector.broadcast %broadcast_in_dim3A_105 : vector<400x1xf32> to vector<400x400xf32>
    %eq3A_107 = arith.cmpf oeq, %select_n3A_102, %eq3A_106 : vector<400x400xf32>
    %jit3A_108 = arith.constant 400 : i32
    %broadcast_in_dim3A_109 = vector.broadcast %jit3A_108 : i32 to vector<400x400xi32>
    %select_n3A_110 = arith.select %eq3A_107, %iota3A, %broadcast_in_dim3A_109 : vector<400x400xi1>, vector<400x400xi32>
    %reduce_min3A_111 = arith.constant dense<2147483647> : vector<400xi32>
    %reduce_min3A_112 = vector.multi_reduction <minsi>, %select_n3A_110, %reduce_min3A_111 [1] : vector<400x400xi32> to vector<400xi32>
    %broadcast_in_dim3A_113 = vector.shape_cast %reduce_min3A_112 : vector<400xi32> to vector<400x1xi32>
    %eq3A_114 = vector.broadcast %broadcast_in_dim3A_113 : vector<400x1xi32> to vector<400x400xi32>
    %eq3A_115 = arith.cmpi eq, %iota3A, %eq3A_114 : vector<400x400xi32>
    %mul3A_116 = arith.constant 1.500000e-01 : f32
    %mul3A_117 = vector.broadcast %mul3A_116 : f32 to vector<400x1xf32>
    %mul3A_118 = arith.mulf %mul3A_117, %broadcast_in_dim3A_105 : vector<400x1xf32>
    %jit3A_119 = arith.constant 0xFF800000 : f32
    %broadcast_in_dim3A_120 = vector.broadcast %jit3A_119 : f32 to vector<400x400xf32>
    %select_n3A_121 = arith.select %eq3A_115, %broadcast_in_dim3A_120, %select_n3A_102 : vector<400x400xi1>, vector<400x400xf32>
    %reduce_max3A_122 = arith.constant dense<0xFF800000> : vector<400xf32>
    %reduce_max3A_123 = vector.multi_reduction <maximumf>, %select_n3A_121, %reduce_max3A_122 [1] : vector<400x400xf32> to vector<400xf32>
    %broadcast_in_dim3A_124 = vector.shape_cast %reduce_max3A_123 : vector<400xf32> to vector<400x1xf32>
    %eq3A_125 = vector.broadcast %broadcast_in_dim3A_124 : vector<400x1xf32> to vector<400x400xf32>
    %eq3A_126 = arith.cmpf oeq, %select_n3A_121, %eq3A_125 : vector<400x400xf32>
    %jit3A_127 = arith.constant 400 : i32
    %broadcast_in_dim3A_128 = vector.broadcast %jit3A_127 : i32 to vector<400x400xi32>
    %select_n3A_129 = arith.select %eq3A_126, %iota3A, %broadcast_in_dim3A_128 : vector<400x400xi1>, vector<400x400xi32>
    %reduce_min3A_130 = arith.constant dense<2147483647> : vector<400xi32>
    %reduce_min3A_131 = vector.multi_reduction <minsi>, %select_n3A_129, %reduce_min3A_130 [1] : vector<400x400xi32> to vector<400xi32>
    %broadcast_in_dim3A_132 = vector.shape_cast %reduce_min3A_131 : vector<400xi32> to vector<400x1xi32>
    %eq3A_133 = vector.broadcast %broadcast_in_dim3A_132 : vector<400x1xi32> to vector<400x400xi32>
    %eq3A_134 = arith.cmpi eq, %iota3A, %eq3A_133 : vector<400x400xi32>
    %mul3A_135 = arith.constant 1.500000e-01 : f32
    %mul3A_136 = vector.broadcast %mul3A_135 : f32 to vector<400x1xf32>
    %mul3A_137 = arith.mulf %mul3A_136, %broadcast_in_dim3A_124 : vector<400x1xf32>
    %jit3A_138 = arith.constant 0xFF800000 : f32
    %broadcast_in_dim3A_139 = vector.broadcast %jit3A_138 : f32 to vector<400x400xf32>
    %select_n3A_140 = arith.select %eq3A_134, %broadcast_in_dim3A_139, %select_n3A_121 : vector<400x400xi1>, vector<400x400xf32>
    %reduce_max3A_141 = arith.constant dense<0xFF800000> : vector<400xf32>
    %reduce_max3A_142 = vector.multi_reduction <maximumf>, %select_n3A_140, %reduce_max3A_141 [1] : vector<400x400xf32> to vector<400xf32>
    %broadcast_in_dim3A_143 = vector.shape_cast %reduce_max3A_142 : vector<400xf32> to vector<400x1xf32>
    %eq3A_144 = vector.broadcast %broadcast_in_dim3A_143 : vector<400x1xf32> to vector<400x400xf32>
    %eq3A_145 = arith.cmpf oeq, %select_n3A_140, %eq3A_144 : vector<400x400xf32>
    %jit3A_146 = arith.constant 400 : i32
    %broadcast_in_dim3A_147 = vector.broadcast %jit3A_146 : i32 to vector<400x400xi32>
    %select_n3A_148 = arith.select %eq3A_145, %iota3A, %broadcast_in_dim3A_147 : vector<400x400xi1>, vector<400x400xi32>
    %reduce_min3A_149 = arith.constant dense<2147483647> : vector<400xi32>
    %reduce_min3A_150 = vector.multi_reduction <minsi>, %select_n3A_148, %reduce_min3A_149 [1] : vector<400x400xi32> to vector<400xi32>
    %broadcast_in_dim3A_151 = vector.shape_cast %reduce_min3A_150 : vector<400xi32> to vector<400x1xi32>
    %eq3A_152 = vector.broadcast %broadcast_in_dim3A_151 : vector<400x1xi32> to vector<400x400xi32>
    %eq3A_153 = arith.cmpi eq, %iota3A, %eq3A_152 : vector<400x400xi32>
    %mul3A_154 = arith.constant 1.500000e-01 : f32
    %mul3A_155 = vector.broadcast %mul3A_154 : f32 to vector<400x1xf32>
    %mul3A_156 = arith.mulf %mul3A_155, %broadcast_in_dim3A_143 : vector<400x1xf32>
    %jit3A_157 = arith.constant 0xFF800000 : f32
    %broadcast_in_dim3A_158 = vector.broadcast %jit3A_157 : f32 to vector<400x400xf32>
    %select_n3A_159 = arith.select %eq3A_153, %broadcast_in_dim3A_158, %select_n3A_140 : vector<400x400xi1>, vector<400x400xf32>
    %reduce_max3A_160 = arith.constant dense<0xFF800000> : vector<400xf32>
    %reduce_max3A_161 = vector.multi_reduction <maximumf>, %select_n3A_159, %reduce_max3A_160 [1] : vector<400x400xf32> to vector<400xf32>
    %broadcast_in_dim3A_162 = vector.shape_cast %reduce_max3A_161 : vector<400xf32> to vector<400x1xf32>
    %eq3A_163 = vector.broadcast %broadcast_in_dim3A_162 : vector<400x1xf32> to vector<400x400xf32>
    %eq3A_164 = arith.cmpf oeq, %select_n3A_159, %eq3A_163 : vector<400x400xf32>
    %jit3A_165 = arith.constant 400 : i32
    %broadcast_in_dim3A_166 = vector.broadcast %jit3A_165 : i32 to vector<400x400xi32>
    %select_n3A_167 = arith.select %eq3A_164, %iota3A, %broadcast_in_dim3A_166 : vector<400x400xi1>, vector<400x400xi32>
    %reduce_min3A_168 = arith.constant dense<2147483647> : vector<400xi32>
    %reduce_min3A_169 = vector.multi_reduction <minsi>, %select_n3A_167, %reduce_min3A_168 [1] : vector<400x400xi32> to vector<400xi32>
    %broadcast_in_dim3A_170 = vector.shape_cast %reduce_min3A_169 : vector<400xi32> to vector<400x1xi32>
    %eq3A_171 = vector.broadcast %broadcast_in_dim3A_170 : vector<400x1xi32> to vector<400x400xi32>
    %eq3A_172 = arith.cmpi eq, %iota3A, %eq3A_171 : vector<400x400xi32>
    %mul3A_173 = arith.constant 1.500000e-01 : f32
    %mul3A_174 = vector.broadcast %mul3A_173 : f32 to vector<400x1xf32>
    %mul3A_175 = arith.mulf %mul3A_174, %broadcast_in_dim3A_162 : vector<400x1xf32>
    %jit3A_176 = arith.constant 0xFF800000 : f32
    %broadcast_in_dim3A_177 = vector.broadcast %jit3A_176 : f32 to vector<400x400xf32>
    %select_n3A_178 = arith.select %eq3A_172, %broadcast_in_dim3A_177, %select_n3A_159 : vector<400x400xi1>, vector<400x400xf32>
    %reduce_max3A_179 = arith.constant dense<0xFF800000> : vector<400xf32>
    %reduce_max3A_180 = vector.multi_reduction <maximumf>, %select_n3A_178, %reduce_max3A_179 [1] : vector<400x400xf32> to vector<400xf32>
    %broadcast_in_dim3A_181 = vector.shape_cast %reduce_max3A_180 : vector<400xf32> to vector<400x1xf32>
    %eq3A_182 = vector.broadcast %broadcast_in_dim3A_181 : vector<400x1xf32> to vector<400x400xf32>
    %eq3A_183 = arith.cmpf oeq, %select_n3A_178, %eq3A_182 : vector<400x400xf32>
    %jit3A_184 = arith.constant 400 : i32
    %broadcast_in_dim3A_185 = vector.broadcast %jit3A_184 : i32 to vector<400x400xi32>
    %select_n3A_186 = arith.select %eq3A_183, %iota3A, %broadcast_in_dim3A_185 : vector<400x400xi1>, vector<400x400xi32>
    %reduce_min3A_187 = arith.constant dense<2147483647> : vector<400xi32>
    %reduce_min3A_188 = vector.multi_reduction <minsi>, %select_n3A_186, %reduce_min3A_187 [1] : vector<400x400xi32> to vector<400xi32>
    %broadcast_in_dim3A_189 = vector.shape_cast %reduce_min3A_188 : vector<400xi32> to vector<400x1xi32>
    %eq3A_190 = vector.broadcast %broadcast_in_dim3A_189 : vector<400x1xi32> to vector<400x400xi32>
    %eq3A_191 = arith.cmpi eq, %iota3A, %eq3A_190 : vector<400x400xi32>
    %mul3A_192 = arith.constant 1.500000e-01 : f32
    %mul3A_193 = vector.broadcast %mul3A_192 : f32 to vector<400x1xf32>
    %mul3A_194 = arith.mulf %mul3A_193, %broadcast_in_dim3A_181 : vector<400x1xf32>
    %convert_element_type3A = arith.truncf %get3A_3 : vector<400x256xf32> to vector<400x256xbf16>
    %convert_element_type3A_195 = arith.extf %convert_element_type3A : vector<400x256xbf16> to vector<400x256xf32>
    %sub3A = arith.subf %get3A_3, %convert_element_type3A_195 : vector<400x256xf32>
    %convert_element_type3A_196 = arith.truncf %sub3A : vector<400x256xf32> to vector<400x256xbf16>
    %convert_element_type3A_197 = arith.extf %convert_element_type3A_196 : vector<400x256xbf16> to vector<400x256xf32>
    %sub3A_198 = arith.subf %sub3A, %convert_element_type3A_197 : vector<400x256xf32>
    %concatenate3A = tpu.concatenate %convert_element_type3A_195, %convert_element_type3A_197, %sub3A_198 in 1 : vector<400x256xf32>, vector<400x256xf32>, vector<400x256xf32> -> vector<400x768xf32>
    %convert_element_type3A_199 = arith.extui %eq3A_22 : vector<400x400xi1> to vector<400x400xi32>
    %convert_element_type3A_200 = arith.sitofp %convert_element_type3A_199 : vector<400x400xi32> to vector<400x400xf32>
    %dot_general3A_201 = arith.constant dense<0.000000e+00> : vector<400x768xf32>
    %dot_general3A_202 = tpu.matmul %convert_element_type3A_200, %concatenate3A, %dot_general3A_201 {dimension_numbers = #tpu.dot_dimension_numbers<[1], [0], [0], [1], [0, 0, 1, 1], [], []>, transpose_lhs_hint = false} : vector<400x400xf32>, vector<400x768xf32>, vector<400x768xf32> -> vector<400x768xf32>
    %slice3A = vector.extract_strided_slice %dot_general3A_202 {offsets = [0, 0], sizes = [400, 256], strides = [1, 1]} : vector<400x768xf32> to vector<400x256xf32>
    %slice3A_203 = vector.extract_strided_slice %dot_general3A_202 {offsets = [0, 256], sizes = [400, 256], strides = [1, 1]} : vector<400x768xf32> to vector<400x256xf32>
    %add3A = arith.addf %slice3A, %slice3A_203 : vector<400x256xf32>
    %slice3A_204 = vector.extract_strided_slice %dot_general3A_202 {offsets = [0, 512], sizes = [400, 256], strides = [1, 1]} : vector<400x768xf32> to vector<400x256xf32>
    %add3A_205 = arith.addf %add3A, %slice3A_204 : vector<400x256xf32>
    %convert_element_type3A_206 = arith.extui %eq3A_40 : vector<400x400xi1> to vector<400x400xi32>
    %convert_element_type3A_207 = arith.sitofp %convert_element_type3A_206 : vector<400x400xi32> to vector<400x400xf32>
    %dot_general3A_208 = arith.constant dense<0.000000e+00> : vector<400x768xf32>
    %dot_general3A_209 = tpu.matmul %convert_element_type3A_207, %concatenate3A, %dot_general3A_208 {dimension_numbers = #tpu.dot_dimension_numbers<[1], [0], [0], [1], [0, 0, 1, 1], [], []>, transpose_lhs_hint = false} : vector<400x400xf32>, vector<400x768xf32>, vector<400x768xf32> -> vector<400x768xf32>
    %slice3A_210 = vector.extract_strided_slice %dot_general3A_209 {offsets = [0, 0], sizes = [400, 256], strides = [1, 1]} : vector<400x768xf32> to vector<400x256xf32>
    %slice3A_211 = vector.extract_strided_slice %dot_general3A_209 {offsets = [0, 256], sizes = [400, 256], strides = [1, 1]} : vector<400x768xf32> to vector<400x256xf32>
    %add3A_212 = arith.addf %slice3A_210, %slice3A_211 : vector<400x256xf32>
    %slice3A_213 = vector.extract_strided_slice %dot_general3A_209 {offsets = [0, 512], sizes = [400, 256], strides = [1, 1]} : vector<400x768xf32> to vector<400x256xf32>
    %add3A_214 = arith.addf %add3A_212, %slice3A_213 : vector<400x256xf32>
    %mul3A_215 = vector.broadcast %mul3A_42 : vector<400x1xf32> to vector<400x256xf32>
    %mul3A_216 = arith.mulf %mul3A_215, %add3A_214 : vector<400x256xf32>
    %convert_element_type3A_217 = arith.extui %eq3A_58 : vector<400x400xi1> to vector<400x400xi32>
    %convert_element_type3A_218 = arith.sitofp %convert_element_type3A_217 : vector<400x400xi32> to vector<400x400xf32>
    %dot_general3A_219 = arith.constant dense<0.000000e+00> : vector<400x768xf32>
    %dot_general3A_220 = tpu.matmul %convert_element_type3A_218, %concatenate3A, %dot_general3A_219 {dimension_numbers = #tpu.dot_dimension_numbers<[1], [0], [0], [1], [0, 0, 1, 1], [], []>, transpose_lhs_hint = false} : vector<400x400xf32>, vector<400x768xf32>, vector<400x768xf32> -> vector<400x768xf32>
    %slice3A_221 = vector.extract_strided_slice %dot_general3A_220 {offsets = [0, 0], sizes = [400, 256], strides = [1, 1]} : vector<400x768xf32> to vector<400x256xf32>
    %slice3A_222 = vector.extract_strided_slice %dot_general3A_220 {offsets = [0, 256], sizes = [400, 256], strides = [1, 1]} : vector<400x768xf32> to vector<400x256xf32>
    %add3A_223 = arith.addf %slice3A_221, %slice3A_222 : vector<400x256xf32>
    %slice3A_224 = vector.extract_strided_slice %dot_general3A_220 {offsets = [0, 512], sizes = [400, 256], strides = [1, 1]} : vector<400x768xf32> to vector<400x256xf32>
    %add3A_225 = arith.addf %add3A_223, %slice3A_224 : vector<400x256xf32>
    %mul3A_226 = vector.broadcast %mul3A_61 : vector<400x1xf32> to vector<400x256xf32>
    %mul3A_227 = arith.mulf %mul3A_226, %add3A_225 : vector<400x256xf32>
    %convert_element_type3A_228 = arith.extui %eq3A_77 : vector<400x400xi1> to vector<400x400xi32>
    %convert_element_type3A_229 = arith.sitofp %convert_element_type3A_228 : vector<400x400xi32> to vector<400x400xf32>
    %dot_general3A_230 = arith.constant dense<0.000000e+00> : vector<400x768xf32>
    %dot_general3A_231 = tpu.matmul %convert_element_type3A_229, %concatenate3A, %dot_general3A_230 {dimension_numbers = #tpu.dot_dimension_numbers<[1], [0], [0], [1], [0, 0, 1, 1], [], []>, transpose_lhs_hint = false} : vector<400x400xf32>, vector<400x768xf32>, vector<400x768xf32> -> vector<400x768xf32>
    %slice3A_232 = vector.extract_strided_slice %dot_general3A_231 {offsets = [0, 0], sizes = [400, 256], strides = [1, 1]} : vector<400x768xf32> to vector<400x256xf32>
    %slice3A_233 = vector.extract_strided_slice %dot_general3A_231 {offsets = [0, 256], sizes = [400, 256], strides = [1, 1]} : vector<400x768xf32> to vector<400x256xf32>
    %add3A_234 = arith.addf %slice3A_232, %slice3A_233 : vector<400x256xf32>
    %slice3A_235 = vector.extract_strided_slice %dot_general3A_231 {offsets = [0, 512], sizes = [400, 256], strides = [1, 1]} : vector<400x768xf32> to vector<400x256xf32>
    %add3A_236 = arith.addf %add3A_234, %slice3A_235 : vector<400x256xf32>
    %mul3A_237 = vector.broadcast %mul3A_80 : vector<400x1xf32> to vector<400x256xf32>
    %mul3A_238 = arith.mulf %mul3A_237, %add3A_236 : vector<400x256xf32>
    %convert_element_type3A_239 = arith.extui %eq3A_96 : vector<400x400xi1> to vector<400x400xi32>
    %convert_element_type3A_240 = arith.sitofp %convert_element_type3A_239 : vector<400x400xi32> to vector<400x400xf32>
    %dot_general3A_241 = arith.constant dense<0.000000e+00> : vector<400x768xf32>
    %dot_general3A_242 = tpu.matmul %convert_element_type3A_240, %concatenate3A, %dot_general3A_241 {dimension_numbers = #tpu.dot_dimension_numbers<[1], [0], [0], [1], [0, 0, 1, 1], [], []>, transpose_lhs_hint = false} : vector<400x400xf32>, vector<400x768xf32>, vector<400x768xf32> -> vector<400x768xf32>
    %slice3A_243 = vector.extract_strided_slice %dot_general3A_242 {offsets = [0, 0], sizes = [400, 256], strides = [1, 1]} : vector<400x768xf32> to vector<400x256xf32>
    %slice3A_244 = vector.extract_strided_slice %dot_general3A_242 {offsets = [0, 256], sizes = [400, 256], strides = [1, 1]} : vector<400x768xf32> to vector<400x256xf32>
    %add3A_245 = arith.addf %slice3A_243, %slice3A_244 : vector<400x256xf32>
    %slice3A_246 = vector.extract_strided_slice %dot_general3A_242 {offsets = [0, 512], sizes = [400, 256], strides = [1, 1]} : vector<400x768xf32> to vector<400x256xf32>
    %add3A_247 = arith.addf %add3A_245, %slice3A_246 : vector<400x256xf32>
    %mul3A_248 = vector.broadcast %mul3A_99 : vector<400x1xf32> to vector<400x256xf32>
    %mul3A_249 = arith.mulf %mul3A_248, %add3A_247 : vector<400x256xf32>
    %convert_element_type3A_250 = arith.extui %eq3A_115 : vector<400x400xi1> to vector<400x400xi32>
    %convert_element_type3A_251 = arith.sitofp %convert_element_type3A_250 : vector<400x400xi32> to vector<400x400xf32>
    %dot_general3A_252 = arith.constant dense<0.000000e+00> : vector<400x768xf32>
    %dot_general3A_253 = tpu.matmul %convert_element_type3A_251, %concatenate3A, %dot_general3A_252 {dimension_numbers = #tpu.dot_dimension_numbers<[1], [0], [0], [1], [0, 0, 1, 1], [], []>, transpose_lhs_hint = false} : vector<400x400xf32>, vector<400x768xf32>, vector<400x768xf32> -> vector<400x768xf32>
    %slice3A_254 = vector.extract_strided_slice %dot_general3A_253 {offsets = [0, 0], sizes = [400, 256], strides = [1, 1]} : vector<400x768xf32> to vector<400x256xf32>
    %slice3A_255 = vector.extract_strided_slice %dot_general3A_253 {offsets = [0, 256], sizes = [400, 256], strides = [1, 1]} : vector<400x768xf32> to vector<400x256xf32>
    %add3A_256 = arith.addf %slice3A_254, %slice3A_255 : vector<400x256xf32>
    %slice3A_257 = vector.extract_strided_slice %dot_general3A_253 {offsets = [0, 512], sizes = [400, 256], strides = [1, 1]} : vector<400x768xf32> to vector<400x256xf32>
    %add3A_258 = arith.addf %add3A_256, %slice3A_257 : vector<400x256xf32>
    %mul3A_259 = vector.broadcast %mul3A_118 : vector<400x1xf32> to vector<400x256xf32>
    %mul3A_260 = arith.mulf %mul3A_259, %add3A_258 : vector<400x256xf32>
    %convert_element_type3A_261 = arith.extui %eq3A_134 : vector<400x400xi1> to vector<400x400xi32>
    %convert_element_type3A_262 = arith.sitofp %convert_element_type3A_261 : vector<400x400xi32> to vector<400x400xf32>
    %dot_general3A_263 = arith.constant dense<0.000000e+00> : vector<400x768xf32>
    %dot_general3A_264 = tpu.matmul %convert_element_type3A_262, %concatenate3A, %dot_general3A_263 {dimension_numbers = #tpu.dot_dimension_numbers<[1], [0], [0], [1], [0, 0, 1, 1], [], []>, transpose_lhs_hint = false} : vector<400x400xf32>, vector<400x768xf32>, vector<400x768xf32> -> vector<400x768xf32>
    %slice3A_265 = vector.extract_strided_slice %dot_general3A_264 {offsets = [0, 0], sizes = [400, 256], strides = [1, 1]} : vector<400x768xf32> to vector<400x256xf32>
    %slice3A_266 = vector.extract_strided_slice %dot_general3A_264 {offsets = [0, 256], sizes = [400, 256], strides = [1, 1]} : vector<400x768xf32> to vector<400x256xf32>
    %add3A_267 = arith.addf %slice3A_265, %slice3A_266 : vector<400x256xf32>
    %slice3A_268 = vector.extract_strided_slice %dot_general3A_264 {offsets = [0, 512], sizes = [400, 256], strides = [1, 1]} : vector<400x768xf32> to vector<400x256xf32>
    %add3A_269 = arith.addf %add3A_267, %slice3A_268 : vector<400x256xf32>
    %mul3A_270 = vector.broadcast %mul3A_137 : vector<400x1xf32> to vector<400x256xf32>
    %mul3A_271 = arith.mulf %mul3A_270, %add3A_269 : vector<400x256xf32>
    %convert_element_type3A_272 = arith.extui %eq3A_153 : vector<400x400xi1> to vector<400x400xi32>
    %convert_element_type3A_273 = arith.sitofp %convert_element_type3A_272 : vector<400x400xi32> to vector<400x400xf32>
    %dot_general3A_274 = arith.constant dense<0.000000e+00> : vector<400x768xf32>
    %dot_general3A_275 = tpu.matmul %convert_element_type3A_273, %concatenate3A, %dot_general3A_274 {dimension_numbers = #tpu.dot_dimension_numbers<[1], [0], [0], [1], [0, 0, 1, 1], [], []>, transpose_lhs_hint = false} : vector<400x400xf32>, vector<400x768xf32>, vector<400x768xf32> -> vector<400x768xf32>
    %slice3A_276 = vector.extract_strided_slice %dot_general3A_275 {offsets = [0, 0], sizes = [400, 256], strides = [1, 1]} : vector<400x768xf32> to vector<400x256xf32>
    %slice3A_277 = vector.extract_strided_slice %dot_general3A_275 {offsets = [0, 256], sizes = [400, 256], strides = [1, 1]} : vector<400x768xf32> to vector<400x256xf32>
    %add3A_278 = arith.addf %slice3A_276, %slice3A_277 : vector<400x256xf32>
    %slice3A_279 = vector.extract_strided_slice %dot_general3A_275 {offsets = [0, 512], sizes = [400, 256], strides = [1, 1]} : vector<400x768xf32> to vector<400x256xf32>
    %add3A_280 = arith.addf %add3A_278, %slice3A_279 : vector<400x256xf32>
    %mul3A_281 = vector.broadcast %mul3A_156 : vector<400x1xf32> to vector<400x256xf32>
    %mul3A_282 = arith.mulf %mul3A_281, %add3A_280 : vector<400x256xf32>
    %convert_element_type3A_283 = arith.extui %eq3A_172 : vector<400x400xi1> to vector<400x400xi32>
    %convert_element_type3A_284 = arith.sitofp %convert_element_type3A_283 : vector<400x400xi32> to vector<400x400xf32>
    %dot_general3A_285 = arith.constant dense<0.000000e+00> : vector<400x768xf32>
    %dot_general3A_286 = tpu.matmul %convert_element_type3A_284, %concatenate3A, %dot_general3A_285 {dimension_numbers = #tpu.dot_dimension_numbers<[1], [0], [0], [1], [0, 0, 1, 1], [], []>, transpose_lhs_hint = false} : vector<400x400xf32>, vector<400x768xf32>, vector<400x768xf32> -> vector<400x768xf32>
    %slice3A_287 = vector.extract_strided_slice %dot_general3A_286 {offsets = [0, 0], sizes = [400, 256], strides = [1, 1]} : vector<400x768xf32> to vector<400x256xf32>
    %slice3A_288 = vector.extract_strided_slice %dot_general3A_286 {offsets = [0, 256], sizes = [400, 256], strides = [1, 1]} : vector<400x768xf32> to vector<400x256xf32>
    %add3A_289 = arith.addf %slice3A_287, %slice3A_288 : vector<400x256xf32>
    %slice3A_290 = vector.extract_strided_slice %dot_general3A_286 {offsets = [0, 512], sizes = [400, 256], strides = [1, 1]} : vector<400x768xf32> to vector<400x256xf32>
    %add3A_291 = arith.addf %add3A_289, %slice3A_290 : vector<400x256xf32>
    %mul3A_292 = vector.broadcast %mul3A_175 : vector<400x1xf32> to vector<400x256xf32>
    %mul3A_293 = arith.mulf %mul3A_292, %add3A_291 : vector<400x256xf32>
    %convert_element_type3A_294 = arith.extui %eq3A_191 : vector<400x400xi1> to vector<400x400xi32>
    %convert_element_type3A_295 = arith.sitofp %convert_element_type3A_294 : vector<400x400xi32> to vector<400x400xf32>
    %dot_general3A_296 = arith.constant dense<0.000000e+00> : vector<400x768xf32>
    %dot_general3A_297 = tpu.matmul %convert_element_type3A_295, %concatenate3A, %dot_general3A_296 {dimension_numbers = #tpu.dot_dimension_numbers<[1], [0], [0], [1], [0, 0, 1, 1], [], []>, transpose_lhs_hint = false} : vector<400x400xf32>, vector<400x768xf32>, vector<400x768xf32> -> vector<400x768xf32>
    %slice3A_298 = vector.extract_strided_slice %dot_general3A_297 {offsets = [0, 0], sizes = [400, 256], strides = [1, 1]} : vector<400x768xf32> to vector<400x256xf32>
    %slice3A_299 = vector.extract_strided_slice %dot_general3A_297 {offsets = [0, 256], sizes = [400, 256], strides = [1, 1]} : vector<400x768xf32> to vector<400x256xf32>
    %add3A_300 = arith.addf %slice3A_298, %slice3A_299 : vector<400x256xf32>
    %slice3A_301 = vector.extract_strided_slice %dot_general3A_297 {offsets = [0, 512], sizes = [400, 256], strides = [1, 1]} : vector<400x768xf32> to vector<400x256xf32>
    %add3A_302 = arith.addf %add3A_300, %slice3A_301 : vector<400x256xf32>
    %mul3A_303 = vector.broadcast %mul3A_194 : vector<400x1xf32> to vector<400x256xf32>
    %mul3A_304 = arith.mulf %mul3A_303, %add3A_302 : vector<400x256xf32>
    %add3A_305 = arith.addf %add3A_205, %mul3A_293 : vector<400x256xf32>
    %add3A_306 = arith.addf %mul3A_216, %mul3A_304 : vector<400x256xf32>
    %add3A_307 = arith.addf %add3A_305, %mul3A_249 : vector<400x256xf32>
    %add3A_308 = arith.addf %add3A_306, %mul3A_260 : vector<400x256xf32>
    %add3A_309 = arith.addf %mul3A_227, %mul3A_271 : vector<400x256xf32>
    %add3A_310 = arith.addf %mul3A_238, %mul3A_282 : vector<400x256xf32>
    %add3A_311 = arith.addf %add3A_307, %add3A_309 : vector<400x256xf32>
    %add3A_312 = arith.addf %add3A_308, %add3A_310 : vector<400x256xf32>
    %add3A_313 = arith.addf %add3A_311, %add3A_312 : vector<400x256xf32>
    %add3A_314 = arith.addf %broadcast_in_dim3A_24, %mul3A_175 : vector<400x1xf32>
    %add3A_315 = arith.addf %mul3A_42, %mul3A_194 : vector<400x1xf32>
    %add3A_316 = arith.addf %add3A_314, %mul3A_99 : vector<400x1xf32>
    %add3A_317 = arith.addf %add3A_315, %mul3A_118 : vector<400x1xf32>
    %add3A_318 = arith.addf %mul3A_61, %mul3A_137 : vector<400x1xf32>
    %add3A_319 = arith.addf %mul3A_80, %mul3A_156 : vector<400x1xf32>
    %add3A_320 = arith.addf %add3A_316, %add3A_318 : vector<400x1xf32>
    %add3A_321 = arith.addf %add3A_317, %add3A_319 : vector<400x1xf32>
    %add3A_322 = arith.addf %add3A_320, %add3A_321 : vector<400x1xf32>
    %div3A = vector.broadcast %add3A_322 : vector<400x1xf32> to vector<400x256xf32>
    %div3A_323 = arith.divf %add3A_313, %div3A : vector<400x256xf32>
    %dot_general3A_324 = arith.constant dense<0.000000e+00> : vector<1x400xf32>
    %dot_general3A_325 = tpu.matmul %get3A_8, %div3A_323, %dot_general3A_324 {dimension_numbers = #tpu.dot_dimension_numbers<[1], [1], [0], [0], [0, 0, 1, 0], [], []>, transpose_lhs_hint = false} : vector<1x256xf32>, vector<400x256xf32>, vector<1x400xf32> -> vector<1x400xf32>
    %eq3A_326 = arith.cmpi eq, %iota3A_14, %iota3A : vector<400x400xi32>
    %convert_element_type3A_327 = arith.extui %eq3A_326 : vector<400x400xi1> to vector<400x400xi32>
    %convert_element_type3A_328 = arith.sitofp %convert_element_type3A_327 : vector<400x400xi32> to vector<400x400xf32>
    %convert_element_type3A_329 = arith.truncf %dot_general3A_325 : vector<1x400xf32> to vector<1x400xbf16>
    %convert_element_type3A_330 = arith.extf %convert_element_type3A_329 : vector<1x400xbf16> to vector<1x400xf32>
    %sub3A_331 = arith.subf %dot_general3A_325, %convert_element_type3A_330 : vector<1x400xf32>
    %convert_element_type3A_332 = arith.truncf %sub3A_331 : vector<1x400xf32> to vector<1x400xbf16>
    %convert_element_type3A_333 = arith.extf %convert_element_type3A_332 : vector<1x400xbf16> to vector<1x400xf32>
    %sub3A_334 = arith.subf %sub3A_331, %convert_element_type3A_333 : vector<1x400xf32>
    %concatenate3A_335 = tpu.concatenate %convert_element_type3A_330, %convert_element_type3A_333, %sub3A_334 in 0 : vector<1x400xf32>, vector<1x400xf32>, vector<1x400xf32> -> vector<3x400xf32>
    %dot_general3A_336 = arith.constant dense<0.000000e+00> : vector<400x3xf32>
    %dot_general3A_337 = tpu.matmul %convert_element_type3A_328, %concatenate3A_335, %dot_general3A_336 {dimension_numbers = #tpu.dot_dimension_numbers<[1], [1], [0], [0], [0, 0, 1, 0], [], []>, transpose_lhs_hint = false} : vector<400x400xf32>, vector<3x400xf32>, vector<400x3xf32> -> vector<400x3xf32>
    %slice3A_338 = vector.extract_strided_slice %dot_general3A_337 {offsets = [0, 0], sizes = [400, 1], strides = [1, 1]} : vector<400x3xf32> to vector<400x1xf32>
    %slice3A_339 = vector.extract_strided_slice %dot_general3A_337 {offsets = [0, 1], sizes = [400, 1], strides = [1, 1]} : vector<400x3xf32> to vector<400x1xf32>
    %add3A_340 = arith.addf %slice3A_338, %slice3A_339 : vector<400x1xf32>
    %slice3A_341 = vector.extract_strided_slice %dot_general3A_337 {offsets = [0, 2], sizes = [400, 1], strides = [1, 1]} : vector<400x3xf32> to vector<400x1xf32>
    %add3A_342 = arith.addf %add3A_340, %slice3A_341 : vector<400x1xf32>
    %gt3A = vector.broadcast %dot_general3A_325 : vector<1x400xf32> to vector<400x400xf32>
    %gt3A_343 = vector.broadcast %add3A_342 : vector<400x1xf32> to vector<400x400xf32>
    %gt3A_344 = arith.cmpf ogt, %gt3A, %gt3A_343 : vector<400x400xf32>
    %convert_element_type3A_345 = arith.extui %gt3A_344 : vector<400x400xi1> to vector<400x400xi32>
    %convert_element_type3A_346 = arith.sitofp %convert_element_type3A_345 : vector<400x400xi32> to vector<400x400xf32>
    %eq3A_347 = vector.broadcast %dot_general3A_325 : vector<1x400xf32> to vector<400x400xf32>
    %eq3A_348 = vector.broadcast %add3A_342 : vector<400x1xf32> to vector<400x400xf32>
    %eq3A_349 = arith.cmpf oeq, %eq3A_347, %eq3A_348 : vector<400x400xf32>
    %lt3A = arith.cmpi slt, %iota3A, %iota3A_14 : vector<400x400xi32>
    %and3A = arith.andi %eq3A_349, %lt3A : vector<400x400xi1>
    %convert_element_type3A_350 = arith.extui %and3A : vector<400x400xi1> to vector<400x400xi32>
    %convert_element_type3A_351 = arith.sitofp %convert_element_type3A_350 : vector<400x400xi32> to vector<400x400xf32>
    %broadcast_in_dim3A_352 = arith.constant 1.000000e+00 : f32
    %broadcast_in_dim3A_353 = vector.broadcast %broadcast_in_dim3A_352 : f32 to vector<400x1xf32>
    %add3A_354 = arith.addf %convert_element_type3A_346, %convert_element_type3A_351 : vector<400x400xf32>
    %dot_general3A_355 = arith.constant dense<0.000000e+00> : vector<400x1xf32>
    %dot_general3A_356 = tpu.matmul %add3A_354, %broadcast_in_dim3A_353, %dot_general3A_355 {dimension_numbers = #tpu.dot_dimension_numbers<[1], [0], [0], [1], [0, 0, 1, 1], [], []>, transpose_lhs_hint = false} : vector<400x400xf32>, vector<400x1xf32>, vector<400x1xf32> -> vector<400x1xf32>
    %round3A = math.roundeven %dot_general3A_356 : vector<400x1xf32>
    %convert_element_type3A_357 = arith.fptosi %round3A : vector<400x1xf32> to vector<400x1xi32>
    %eq3A_358 = vector.broadcast %convert_element_type3A_357 : vector<400x1xi32> to vector<400x400xi32>
    %eq3A_359 = arith.cmpi eq, %eq3A_358, %iota3A : vector<400x400xi32>
    %convert_element_type3A_360 = arith.extui %eq3A_359 : vector<400x400xi1> to vector<400x400xi32>
    %convert_element_type3A_361 = arith.sitofp %convert_element_type3A_360 : vector<400x400xi32> to vector<400x400xf32>
    %iota3A_362 = tpu.iota {dimensions = array<i32: 1>} : vector<1x400xi32>
    %convert_element_type3A_363 = arith.sitofp %iota3A_362 : vector<1x400xi32> to vector<1x400xf32>
    %convert_element_type3A_364 = arith.truncf %convert_element_type3A_363 : vector<1x400xf32> to vector<1x400xbf16>
    %convert_element_type3A_365 = arith.extf %convert_element_type3A_364 : vector<1x400xbf16> to vector<1x400xf32>
    %sub3A_366 = arith.subf %convert_element_type3A_363, %convert_element_type3A_365 : vector<1x400xf32>
    %convert_element_type3A_367 = arith.sitofp %get3A_13 : vector<1x400xi32> to vector<1x400xf32>
    %convert_element_type3A_368 = arith.truncf %convert_element_type3A_367 : vector<1x400xf32> to vector<1x400xbf16>
    %convert_element_type3A_369 = arith.extf %convert_element_type3A_368 : vector<1x400xbf16> to vector<1x400xf32>
    %sub3A_370 = arith.subf %convert_element_type3A_367, %convert_element_type3A_369 : vector<1x400xf32>
    %concatenate3A_371 = tpu.concatenate %convert_element_type3A_365, %sub3A_366, %convert_element_type3A_369, %sub3A_370 in 0 : vector<1x400xf32>, vector<1x400xf32>, vector<1x400xf32>, vector<1x400xf32> -> vector<4x400xf32>
    %dot_general3A_372 = arith.constant dense<0.000000e+00> : vector<4x400xf32>
    %dot_general3A_373 = tpu.matmul %concatenate3A_371, %convert_element_type3A_361, %dot_general3A_372 {dimension_numbers = #tpu.dot_dimension_numbers<[1], [0], [0], [1], [0, 0, 1, 1], [], []>, transpose_lhs_hint = false} : vector<4x400xf32>, vector<400x400xf32>, vector<4x400xf32> -> vector<4x400xf32>
    %slice3A_374 = vector.extract_strided_slice %dot_general3A_373 {offsets = [0, 0], sizes = [1, 400], strides = [1, 1]} : vector<4x400xf32> to vector<1x400xf32>
    %slice3A_375 = vector.extract_strided_slice %dot_general3A_373 {offsets = [1, 0], sizes = [1, 400], strides = [1, 1]} : vector<4x400xf32> to vector<1x400xf32>
    %add3A_376 = arith.addf %slice3A_374, %slice3A_375 : vector<1x400xf32>
    %slice3A_377 = vector.extract_strided_slice %dot_general3A_373 {offsets = [2, 0], sizes = [1, 400], strides = [1, 1]} : vector<4x400xf32> to vector<1x400xf32>
    %slice3A_378 = vector.extract_strided_slice %dot_general3A_373 {offsets = [3, 0], sizes = [1, 400], strides = [1, 1]} : vector<4x400xf32> to vector<1x400xf32>
    %add3A_379 = arith.addf %slice3A_377, %slice3A_378 : vector<1x400xf32>
    %round3A_380 = math.roundeven %add3A_379 : vector<1x400xf32>
    %convert_element_type3A_381 = arith.fptosi %round3A_380 : vector<1x400xf32> to vector<1x400xi32>
    %round3A_382 = math.roundeven %add3A_376 : vector<1x400xf32>
    %convert_element_type3A_383 = arith.fptosi %round3A_382 : vector<1x400xf32> to vector<1x400xi32>
    %swap3A = arith.constant 0 : index
    %swap3A_384 = arith.constant 0 : index
    %swap3A_385 = arith.constant 0 : index
    %swap3A_386 = vector.load %arg4[%swap3A, %swap3A_384, %swap3A_385] : memref<2x1x400xi32, #tpu.memory_space<vmem>>, vector<1x1x400xi32>
    %swap3A_387 = vector.shape_cast %swap3A_386 : vector<1x1x400xi32> to vector<1x400xi32>
    %swap3A_388 = vector.shape_cast %convert_element_type3A_381 : vector<1x400xi32> to vector<1x1x400xi32>
    tpu.vector_store %arg4[%swap3A, %swap3A_384, %swap3A_385], %swap3A_388 {strides = array<i32>} : memref<2x1x400xi32, #tpu.memory_space<vmem>>, vector<1x1x400xi32>,
    %swap3A_389 = arith.constant 0 : index
    %swap3A_390 = arith.constant 0 : index
    %swap3A_391 = arith.constant 0 : index
    %swap3A_392 = vector.load %arg5[%swap3A_389, %swap3A_390, %swap3A_391] : memref<2x1x400xf32, #tpu.memory_space<vmem>>, vector<1x1x400xf32>
    %swap3A_393 = vector.shape_cast %swap3A_392 : vector<1x1x400xf32> to vector<1x400xf32>
    %swap3A_394 = vector.shape_cast %dot_general3A_325 : vector<1x400xf32> to vector<1x1x400xf32>
    tpu.vector_store %arg5[%swap3A_389, %swap3A_390, %swap3A_391], %swap3A_394 {strides = array<i32>} : memref<2x1x400xf32, #tpu.memory_space<vmem>>, vector<1x1x400xf32>,
    %swap3A_395 = arith.constant 0 : index
    %swap3A_396 = arith.constant 0 : index
    %swap3A_397 = arith.constant 0 : index
    %swap3A_398 = vector.load %arg6[%swap3A_395, %swap3A_396, %swap3A_397] : memref<2x1x400xi32, #tpu.memory_space<vmem>>, vector<1x1x400xi32>
    %swap3A_399 = vector.shape_cast %swap3A_398 : vector<1x1x400xi32> to vector<1x400xi32>
    %swap3A_400 = vector.shape_cast %convert_element_type3A_383 : vector<1x400xi32> to vector<1x1x400xi32>
    tpu.vector_store %arg6[%swap3A_395, %swap3A_396, %swap3A_397], %swap3A_400 {strides = array<i32>} : memref<2x1x400xi32, #tpu.memory_space<vmem>>, vector<1x1x400xi32>,
    %swap3A_401 = arith.constant 0 : index
    %swap3A_402 = arith.constant 0 : index
    %swap3A_403 = arith.constant 0 : index
    %swap3A_404 = vector.load %arg7[%swap3A_401, %swap3A_402, %swap3A_403] : memref<2x400x256xf32, #tpu.memory_space<vmem>>, vector<1x400x256xf32>
    %swap3A_405 = vector.shape_cast %swap3A_404 : vector<1x400x256xf32> to vector<400x256xf32>
    %swap3A_406 = vector.shape_cast %div3A_323 : vector<400x256xf32> to vector<1x400x256xf32>
    tpu.vector_store %arg7[%swap3A_401, %swap3A_402, %swap3A_403], %swap3A_406 {strides = array<i32>} : memref<2x400x256xf32, #tpu.memory_space<vmem>>, vector<1x400x256xf32>,
    %get3A_407 = arith.constant 1 : index
    %get3A_408 = arith.constant 0 : index
    %get3A_409 = arith.constant 0 : index
    %get3A_410 = vector.load %arg1[%get3A_407, %get3A_408, %get3A_409] : memref<2x400x256xf32, #tpu.memory_space<vmem>>, vector<1x400x256xf32>
    %get3A_411 = vector.shape_cast %get3A_410 : vector<1x400x256xf32> to vector<400x256xf32>
    %get3A_412 = arith.constant 1 : index
    %get3A_413 = arith.constant 0 : index
    %get3A_414 = arith.constant 0 : index
    %get3A_415 = vector.load %arg2[%get3A_412, %get3A_413, %get3A_414] : memref<2x1x256xf32, #tpu.memory_space<vmem>>, vector<1x1x256xf32>
    %get3A_416 = vector.shape_cast %get3A_415 : vector<1x1x256xf32> to vector<1x256xf32>
    %get3A_417 = arith.constant 1 : index
    %get3A_418 = arith.constant 0 : index
    %get3A_419 = arith.constant 0 : index
    %get3A_420 = vector.load %arg3[%get3A_417, %get3A_418, %get3A_419] : memref<2x1x400xi32, #tpu.memory_space<vmem>>, vector<1x1x400xi32>
    %get3A_421 = vector.shape_cast %get3A_420 : vector<1x1x400xi32> to vector<1x400xi32>
    %iota3A_422 = tpu.iota {dimensions = array<i32: 1>} : vector<400x400xi32>
    %iota3A_423 = tpu.iota {dimensions = array<i32: 0>} : vector<400x400xi32>
    %dot_general3A_424 = arith.constant dense<0.000000e+00> : vector<400x400xf32>
    %dot_general3A_425 = tpu.matmul %get3A_411, %get3A_411, %dot_general3A_424 {dimension_numbers = #tpu.dot_dimension_numbers<[1], [1], [0], [0], [0, 0, 1, 0], [], []>, transpose_lhs_hint = false} : vector<400x256xf32>, vector<400x256xf32>, vector<400x400xf32> -> vector<400x400xf32>
    %reduce_max3A_426 = arith.constant dense<0xFF800000> : vector<400xf32>
    %reduce_max3A_427 = vector.multi_reduction <maximumf>, %dot_general3A_425, %reduce_max3A_426 [1] : vector<400x400xf32> to vector<400xf32>
    %broadcast_in_dim3A_428 = vector.shape_cast %reduce_max3A_427 : vector<400xf32> to vector<400x1xf32>
    %eq3A_429 = vector.broadcast %broadcast_in_dim3A_428 : vector<400x1xf32> to vector<400x400xf32>
    %eq3A_430 = arith.cmpf oeq, %dot_general3A_425, %eq3A_429 : vector<400x400xf32>
    %jit3A_431 = arith.constant 400 : i32
    %broadcast_in_dim3A_432 = vector.broadcast %jit3A_431 : i32 to vector<400x400xi32>
    %select_n3A_433 = arith.select %eq3A_430, %iota3A_422, %broadcast_in_dim3A_432 : vector<400x400xi1>, vector<400x400xi32>
    %reduce_min3A_434 = arith.constant dense<2147483647> : vector<400xi32>
    %reduce_min3A_435 = vector.multi_reduction <minsi>, %select_n3A_433, %reduce_min3A_434 [1] : vector<400x400xi32> to vector<400xi32>
    %broadcast_in_dim3A_436 = vector.shape_cast %reduce_min3A_435 : vector<400xi32> to vector<400x1xi32>
    %eq3A_437 = vector.broadcast %broadcast_in_dim3A_436 : vector<400x1xi32> to vector<400x400xi32>
    %eq3A_438 = arith.cmpi eq, %iota3A_422, %eq3A_437 : vector<400x400xi32>
    %broadcast_in_dim3A_439 = arith.constant 1.000000e+00 : f32
    %broadcast_in_dim3A_440 = vector.broadcast %broadcast_in_dim3A_439 : f32 to vector<400x1xf32>
    %jit3A_441 = arith.constant 0xFF800000 : f32
    %broadcast_in_dim3A_442 = vector.broadcast %jit3A_441 : f32 to vector<400x400xf32>
    %select_n3A_443 = arith.select %eq3A_438, %broadcast_in_dim3A_442, %dot_general3A_425 : vector<400x400xi1>, vector<400x400xf32>
    %reduce_max3A_444 = arith.constant dense<0xFF800000> : vector<400xf32>
    %reduce_max3A_445 = vector.multi_reduction <maximumf>, %select_n3A_443, %reduce_max3A_444 [1] : vector<400x400xf32> to vector<400xf32>
    %broadcast_in_dim3A_446 = vector.shape_cast %reduce_max3A_445 : vector<400xf32> to vector<400x1xf32>
    %eq3A_447 = vector.broadcast %broadcast_in_dim3A_446 : vector<400x1xf32> to vector<400x400xf32>
    %eq3A_448 = arith.cmpf oeq, %select_n3A_443, %eq3A_447 : vector<400x400xf32>
    %jit3A_449 = arith.constant 400 : i32
    %broadcast_in_dim3A_450 = vector.broadcast %jit3A_449 : i32 to vector<400x400xi32>
    %select_n3A_451 = arith.select %eq3A_448, %iota3A_422, %broadcast_in_dim3A_450 : vector<400x400xi1>, vector<400x400xi32>
    %reduce_min3A_452 = arith.constant dense<2147483647> : vector<400xi32>
    %reduce_min3A_453 = vector.multi_reduction <minsi>, %select_n3A_451, %reduce_min3A_452 [1] : vector<400x400xi32> to vector<400xi32>
    %broadcast_in_dim3A_454 = vector.shape_cast %reduce_min3A_453 : vector<400xi32> to vector<400x1xi32>
    %eq3A_455 = vector.broadcast %broadcast_in_dim3A_454 : vector<400x1xi32> to vector<400x400xi32>
    %eq3A_456 = arith.cmpi eq, %iota3A_422, %eq3A_455 : vector<400x400xi32>
    %mul3A_457 = arith.constant 1.500000e-01 : f32
    %mul3A_458 = vector.broadcast %mul3A_457 : f32 to vector<400x1xf32>
    %mul3A_459 = arith.mulf %mul3A_458, %broadcast_in_dim3A_446 : vector<400x1xf32>
    %jit3A_460 = arith.constant 0xFF800000 : f32
    %broadcast_in_dim3A_461 = vector.broadcast %jit3A_460 : f32 to vector<400x400xf32>
    %select_n3A_462 = arith.select %eq3A_456, %broadcast_in_dim3A_461, %select_n3A_443 : vector<400x400xi1>, vector<400x400xf32>
    %reduce_max3A_463 = arith.constant dense<0xFF800000> : vector<400xf32>
    %reduce_max3A_464 = vector.multi_reduction <maximumf>, %select_n3A_462, %reduce_max3A_463 [1] : vector<400x400xf32> to vector<400xf32>
    %broadcast_in_dim3A_465 = vector.shape_cast %reduce_max3A_464 : vector<400xf32> to vector<400x1xf32>
    %eq3A_466 = vector.broadcast %broadcast_in_dim3A_465 : vector<400x1xf32> to vector<400x400xf32>
    %eq3A_467 = arith.cmpf oeq, %select_n3A_462, %eq3A_466 : vector<400x400xf32>
    %jit3A_468 = arith.constant 400 : i32
    %broadcast_in_dim3A_469 = vector.broadcast %jit3A_468 : i32 to vector<400x400xi32>
    %select_n3A_470 = arith.select %eq3A_467, %iota3A_422, %broadcast_in_dim3A_469 : vector<400x400xi1>, vector<400x400xi32>
    %reduce_min3A_471 = arith.constant dense<2147483647> : vector<400xi32>
    %reduce_min3A_472 = vector.multi_reduction <minsi>, %select_n3A_470, %reduce_min3A_471 [1] : vector<400x400xi32> to vector<400xi32>
    %broadcast_in_dim3A_473 = vector.shape_cast %reduce_min3A_472 : vector<400xi32> to vector<400x1xi32>
    %eq3A_474 = vector.broadcast %broadcast_in_dim3A_473 : vector<400x1xi32> to vector<400x400xi32>
    %eq3A_475 = arith.cmpi eq, %iota3A_422, %eq3A_474 : vector<400x400xi32>
    %mul3A_476 = arith.constant 1.500000e-01 : f32
    %mul3A_477 = vector.broadcast %mul3A_476 : f32 to vector<400x1xf32>
    %mul3A_478 = arith.mulf %mul3A_477, %broadcast_in_dim3A_465 : vector<400x1xf32>
    %jit3A_479 = arith.constant 0xFF800000 : f32
    %broadcast_in_dim3A_480 = vector.broadcast %jit3A_479 : f32 to vector<400x400xf32>
    %select_n3A_481 = arith.select %eq3A_475, %broadcast_in_dim3A_480, %select_n3A_462 : vector<400x400xi1>, vector<400x400xf32>
    %reduce_max3A_482 = arith.constant dense<0xFF800000> : vector<400xf32>
    %reduce_max3A_483 = vector.multi_reduction <maximumf>, %select_n3A_481, %reduce_max3A_482 [1] : vector<400x400xf32> to vector<400xf32>
    %broadcast_in_dim3A_484 = vector.shape_cast %reduce_max3A_483 : vector<400xf32> to vector<400x1xf32>
    %eq3A_485 = vector.broadcast %broadcast_in_dim3A_484 : vector<400x1xf32> to vector<400x400xf32>
    %eq3A_486 = arith.cmpf oeq, %select_n3A_481, %eq3A_485 : vector<400x400xf32>
    %jit3A_487 = arith.constant 400 : i32
    %broadcast_in_dim3A_488 = vector.broadcast %jit3A_487 : i32 to vector<400x400xi32>
    %select_n3A_489 = arith.select %eq3A_486, %iota3A_422, %broadcast_in_dim3A_488 : vector<400x400xi1>, vector<400x400xi32>
    %reduce_min3A_490 = arith.constant dense<2147483647> : vector<400xi32>
    %reduce_min3A_491 = vector.multi_reduction <minsi>, %select_n3A_489, %reduce_min3A_490 [1] : vector<400x400xi32> to vector<400xi32>
    %broadcast_in_dim3A_492 = vector.shape_cast %reduce_min3A_491 : vector<400xi32> to vector<400x1xi32>
    %eq3A_493 = vector.broadcast %broadcast_in_dim3A_492 : vector<400x1xi32> to vector<400x400xi32>
    %eq3A_494 = arith.cmpi eq, %iota3A_422, %eq3A_493 : vector<400x400xi32>
    %mul3A_495 = arith.constant 1.500000e-01 : f32
    %mul3A_496 = vector.broadcast %mul3A_495 : f32 to vector<400x1xf32>
    %mul3A_497 = arith.mulf %mul3A_496, %broadcast_in_dim3A_484 : vector<400x1xf32>
    %jit3A_498 = arith.constant 0xFF800000 : f32
    %broadcast_in_dim3A_499 = vector.broadcast %jit3A_498 : f32 to vector<400x400xf32>
    %select_n3A_500 = arith.select %eq3A_494, %broadcast_in_dim3A_499, %select_n3A_481 : vector<400x400xi1>, vector<400x400xf32>
    %reduce_max3A_501 = arith.constant dense<0xFF800000> : vector<400xf32>
    %reduce_max3A_502 = vector.multi_reduction <maximumf>, %select_n3A_500, %reduce_max3A_501 [1] : vector<400x400xf32> to vector<400xf32>
    %broadcast_in_dim3A_503 = vector.shape_cast %reduce_max3A_502 : vector<400xf32> to vector<400x1xf32>
    %eq3A_504 = vector.broadcast %broadcast_in_dim3A_503 : vector<400x1xf32> to vector<400x400xf32>
    %eq3A_505 = arith.cmpf oeq, %select_n3A_500, %eq3A_504 : vector<400x400xf32>
    %jit3A_506 = arith.constant 400 : i32
    %broadcast_in_dim3A_507 = vector.broadcast %jit3A_506 : i32 to vector<400x400xi32>
    %select_n3A_508 = arith.select %eq3A_505, %iota3A_422, %broadcast_in_dim3A_507 : vector<400x400xi1>, vector<400x400xi32>
    %reduce_min3A_509 = arith.constant dense<2147483647> : vector<400xi32>
    %reduce_min3A_510 = vector.multi_reduction <minsi>, %select_n3A_508, %reduce_min3A_509 [1] : vector<400x400xi32> to vector<400xi32>
    %broadcast_in_dim3A_511 = vector.shape_cast %reduce_min3A_510 : vector<400xi32> to vector<400x1xi32>
    %eq3A_512 = vector.broadcast %broadcast_in_dim3A_511 : vector<400x1xi32> to vector<400x400xi32>
    %eq3A_513 = arith.cmpi eq, %iota3A_422, %eq3A_512 : vector<400x400xi32>
    %mul3A_514 = arith.constant 1.500000e-01 : f32
    %mul3A_515 = vector.broadcast %mul3A_514 : f32 to vector<400x1xf32>
    %mul3A_516 = arith.mulf %mul3A_515, %broadcast_in_dim3A_503 : vector<400x1xf32>
    %jit3A_517 = arith.constant 0xFF800000 : f32
    %broadcast_in_dim3A_518 = vector.broadcast %jit3A_517 : f32 to vector<400x400xf32>
    %select_n3A_519 = arith.select %eq3A_513, %broadcast_in_dim3A_518, %select_n3A_500 : vector<400x400xi1>, vector<400x400xf32>
    %reduce_max3A_520 = arith.constant dense<0xFF800000> : vector<400xf32>
    %reduce_max3A_521 = vector.multi_reduction <maximumf>, %select_n3A_519, %reduce_max3A_520 [1] : vector<400x400xf32> to vector<400xf32>
    %broadcast_in_dim3A_522 = vector.shape_cast %reduce_max3A_521 : vector<400xf32> to vector<400x1xf32>
    %eq3A_523 = vector.broadcast %broadcast_in_dim3A_522 : vector<400x1xf32> to vector<400x400xf32>
    %eq3A_524 = arith.cmpf oeq, %select_n3A_519, %eq3A_523 : vector<400x400xf32>
    %jit3A_525 = arith.constant 400 : i32
    %broadcast_in_dim3A_526 = vector.broadcast %jit3A_525 : i32 to vector<400x400xi32>
    %select_n3A_527 = arith.select %eq3A_524, %iota3A_422, %broadcast_in_dim3A_526 : vector<400x400xi1>, vector<400x400xi32>
    %reduce_min3A_528 = arith.constant dense<2147483647> : vector<400xi32>
    %reduce_min3A_529 = vector.multi_reduction <minsi>, %select_n3A_527, %reduce_min3A_528 [1] : vector<400x400xi32> to vector<400xi32>
    %broadcast_in_dim3A_530 = vector.shape_cast %reduce_min3A_529 : vector<400xi32> to vector<400x1xi32>
    %eq3A_531 = vector.broadcast %broadcast_in_dim3A_530 : vector<400x1xi32> to vector<400x400xi32>
    %eq3A_532 = arith.cmpi eq, %iota3A_422, %eq3A_531 : vector<400x400xi32>
    %mul3A_533 = arith.constant 1.500000e-01 : f32
    %mul3A_534 = vector.broadcast %mul3A_533 : f32 to vector<400x1xf32>
    %mul3A_535 = arith.mulf %mul3A_534, %broadcast_in_dim3A_522 : vector<400x1xf32>
    %jit3A_536 = arith.constant 0xFF800000 : f32
    %broadcast_in_dim3A_537 = vector.broadcast %jit3A_536 : f32 to vector<400x400xf32>
    %select_n3A_538 = arith.select %eq3A_532, %broadcast_in_dim3A_537, %select_n3A_519 : vector<400x400xi1>, vector<400x400xf32>
    %reduce_max3A_539 = arith.constant dense<0xFF800000> : vector<400xf32>
    %reduce_max3A_540 = vector.multi_reduction <maximumf>, %select_n3A_538, %reduce_max3A_539 [1] : vector<400x400xf32> to vector<400xf32>
    %broadcast_in_dim3A_541 = vector.shape_cast %reduce_max3A_540 : vector<400xf32> to vector<400x1xf32>
    %eq3A_542 = vector.broadcast %broadcast_in_dim3A_541 : vector<400x1xf32> to vector<400x400xf32>
    %eq3A_543 = arith.cmpf oeq, %select_n3A_538, %eq3A_542 : vector<400x400xf32>
    %jit3A_544 = arith.constant 400 : i32
    %broadcast_in_dim3A_545 = vector.broadcast %jit3A_544 : i32 to vector<400x400xi32>
    %select_n3A_546 = arith.select %eq3A_543, %iota3A_422, %broadcast_in_dim3A_545 : vector<400x400xi1>, vector<400x400xi32>
    %reduce_min3A_547 = arith.constant dense<2147483647> : vector<400xi32>
    %reduce_min3A_548 = vector.multi_reduction <minsi>, %select_n3A_546, %reduce_min3A_547 [1] : vector<400x400xi32> to vector<400xi32>
    %broadcast_in_dim3A_549 = vector.shape_cast %reduce_min3A_548 : vector<400xi32> to vector<400x1xi32>
    %eq3A_550 = vector.broadcast %broadcast_in_dim3A_549 : vector<400x1xi32> to vector<400x400xi32>
    %eq3A_551 = arith.cmpi eq, %iota3A_422, %eq3A_550 : vector<400x400xi32>
    %mul3A_552 = arith.constant 1.500000e-01 : f32
    %mul3A_553 = vector.broadcast %mul3A_552 : f32 to vector<400x1xf32>
    %mul3A_554 = arith.mulf %mul3A_553, %broadcast_in_dim3A_541 : vector<400x1xf32>
    %jit3A_555 = arith.constant 0xFF800000 : f32
    %broadcast_in_dim3A_556 = vector.broadcast %jit3A_555 : f32 to vector<400x400xf32>
    %select_n3A_557 = arith.select %eq3A_551, %broadcast_in_dim3A_556, %select_n3A_538 : vector<400x400xi1>, vector<400x400xf32>
    %reduce_max3A_558 = arith.constant dense<0xFF800000> : vector<400xf32>
    %reduce_max3A_559 = vector.multi_reduction <maximumf>, %select_n3A_557, %reduce_max3A_558 [1] : vector<400x400xf32> to vector<400xf32>
    %broadcast_in_dim3A_560 = vector.shape_cast %reduce_max3A_559 : vector<400xf32> to vector<400x1xf32>
    %eq3A_561 = vector.broadcast %broadcast_in_dim3A_560 : vector<400x1xf32> to vector<400x400xf32>
    %eq3A_562 = arith.cmpf oeq, %select_n3A_557, %eq3A_561 : vector<400x400xf32>
    %jit3A_563 = arith.constant 400 : i32
    %broadcast_in_dim3A_564 = vector.broadcast %jit3A_563 : i32 to vector<400x400xi32>
    %select_n3A_565 = arith.select %eq3A_562, %iota3A_422, %broadcast_in_dim3A_564 : vector<400x400xi1>, vector<400x400xi32>
    %reduce_min3A_566 = arith.constant dense<2147483647> : vector<400xi32>
    %reduce_min3A_567 = vector.multi_reduction <minsi>, %select_n3A_565, %reduce_min3A_566 [1] : vector<400x400xi32> to vector<400xi32>
    %broadcast_in_dim3A_568 = vector.shape_cast %reduce_min3A_567 : vector<400xi32> to vector<400x1xi32>
    %eq3A_569 = vector.broadcast %broadcast_in_dim3A_568 : vector<400x1xi32> to vector<400x400xi32>
    %eq3A_570 = arith.cmpi eq, %iota3A_422, %eq3A_569 : vector<400x400xi32>
    %mul3A_571 = arith.constant 1.500000e-01 : f32
    %mul3A_572 = vector.broadcast %mul3A_571 : f32 to vector<400x1xf32>
    %mul3A_573 = arith.mulf %mul3A_572, %broadcast_in_dim3A_560 : vector<400x1xf32>
    %jit3A_574 = arith.constant 0xFF800000 : f32
    %broadcast_in_dim3A_575 = vector.broadcast %jit3A_574 : f32 to vector<400x400xf32>
    %select_n3A_576 = arith.select %eq3A_570, %broadcast_in_dim3A_575, %select_n3A_557 : vector<400x400xi1>, vector<400x400xf32>
    %reduce_max3A_577 = arith.constant dense<0xFF800000> : vector<400xf32>
    %reduce_max3A_578 = vector.multi_reduction <maximumf>, %select_n3A_576, %reduce_max3A_577 [1] : vector<400x400xf32> to vector<400xf32>
    %broadcast_in_dim3A_579 = vector.shape_cast %reduce_max3A_578 : vector<400xf32> to vector<400x1xf32>
    %eq3A_580 = vector.broadcast %broadcast_in_dim3A_579 : vector<400x1xf32> to vector<400x400xf32>
    %eq3A_581 = arith.cmpf oeq, %select_n3A_576, %eq3A_580 : vector<400x400xf32>
    %jit3A_582 = arith.constant 400 : i32
    %broadcast_in_dim3A_583 = vector.broadcast %jit3A_582 : i32 to vector<400x400xi32>
    %select_n3A_584 = arith.select %eq3A_581, %iota3A_422, %broadcast_in_dim3A_583 : vector<400x400xi1>, vector<400x400xi32>
    %reduce_min3A_585 = arith.constant dense<2147483647> : vector<400xi32>
    %reduce_min3A_586 = vector.multi_reduction <minsi>, %select_n3A_584, %reduce_min3A_585 [1] : vector<400x400xi32> to vector<400xi32>
    %broadcast_in_dim3A_587 = vector.shape_cast %reduce_min3A_586 : vector<400xi32> to vector<400x1xi32>
    %eq3A_588 = vector.broadcast %broadcast_in_dim3A_587 : vector<400x1xi32> to vector<400x400xi32>
    %eq3A_589 = arith.cmpi eq, %iota3A_422, %eq3A_588 : vector<400x400xi32>
    %mul3A_590 = arith.constant 1.500000e-01 : f32
    %mul3A_591 = vector.broadcast %mul3A_590 : f32 to vector<400x1xf32>
    %mul3A_592 = arith.mulf %mul3A_591, %broadcast_in_dim3A_579 : vector<400x1xf32>
    %jit3A_593 = arith.constant 0xFF800000 : f32
    %broadcast_in_dim3A_594 = vector.broadcast %jit3A_593 : f32 to vector<400x400xf32>
    %select_n3A_595 = arith.select %eq3A_589, %broadcast_in_dim3A_594, %select_n3A_576 : vector<400x400xi1>, vector<400x400xf32>
    %reduce_max3A_596 = arith.constant dense<0xFF800000> : vector<400xf32>
    %reduce_max3A_597 = vector.multi_reduction <maximumf>, %select_n3A_595, %reduce_max3A_596 [1] : vector<400x400xf32> to vector<400xf32>
    %broadcast_in_dim3A_598 = vector.shape_cast %reduce_max3A_597 : vector<400xf32> to vector<400x1xf32>
    %eq3A_599 = vector.broadcast %broadcast_in_dim3A_598 : vector<400x1xf32> to vector<400x400xf32>
    %eq3A_600 = arith.cmpf oeq, %select_n3A_595, %eq3A_599 : vector<400x400xf32>
    %jit3A_601 = arith.constant 400 : i32
    %broadcast_in_dim3A_602 = vector.broadcast %jit3A_601 : i32 to vector<400x400xi32>
    %select_n3A_603 = arith.select %eq3A_600, %iota3A_422, %broadcast_in_dim3A_602 : vector<400x400xi1>, vector<400x400xi32>
    %reduce_min3A_604 = arith.constant dense<2147483647> : vector<400xi32>
    %reduce_min3A_605 = vector.multi_reduction <minsi>, %select_n3A_603, %reduce_min3A_604 [1] : vector<400x400xi32> to vector<400xi32>
    %broadcast_in_dim3A_606 = vector.shape_cast %reduce_min3A_605 : vector<400xi32> to vector<400x1xi32>
    %eq3A_607 = vector.broadcast %broadcast_in_dim3A_606 : vector<400x1xi32> to vector<400x400xi32>
    %eq3A_608 = arith.cmpi eq, %iota3A_422, %eq3A_607 : vector<400x400xi32>
    %mul3A_609 = arith.constant 1.500000e-01 : f32
    %mul3A_610 = vector.broadcast %mul3A_609 : f32 to vector<400x1xf32>
    %mul3A_611 = arith.mulf %mul3A_610, %broadcast_in_dim3A_598 : vector<400x1xf32>
    %convert_element_type3A_612 = arith.truncf %get3A_411 : vector<400x256xf32> to vector<400x256xbf16>
    %convert_element_type3A_613 = arith.extf %convert_element_type3A_612 : vector<400x256xbf16> to vector<400x256xf32>
    %sub3A_614 = arith.subf %get3A_411, %convert_element_type3A_613 : vector<400x256xf32>
    %convert_element_type3A_615 = arith.truncf %sub3A_614 : vector<400x256xf32> to vector<400x256xbf16>
    %convert_element_type3A_616 = arith.extf %convert_element_type3A_615 : vector<400x256xbf16> to vector<400x256xf32>
    %sub3A_617 = arith.subf %sub3A_614, %convert_element_type3A_616 : vector<400x256xf32>
    %concatenate3A_618 = tpu.concatenate %convert_element_type3A_613, %convert_element_type3A_616, %sub3A_617 in 1 : vector<400x256xf32>, vector<400x256xf32>, vector<400x256xf32> -> vector<400x768xf32>
    %convert_element_type3A_619 = arith.extui %eq3A_438 : vector<400x400xi1> to vector<400x400xi32>
    %convert_element_type3A_620 = arith.sitofp %convert_element_type3A_619 : vector<400x400xi32> to vector<400x400xf32>
    %dot_general3A_621 = arith.constant dense<0.000000e+00> : vector<400x768xf32>
    %dot_general3A_622 = tpu.matmul %convert_element_type3A_620, %concatenate3A_618, %dot_general3A_621 {dimension_numbers = #tpu.dot_dimension_numbers<[1], [0], [0], [1], [0, 0, 1, 1], [], []>, transpose_lhs_hint = false} : vector<400x400xf32>, vector<400x768xf32>, vector<400x768xf32> -> vector<400x768xf32>
    %slice3A_623 = vector.extract_strided_slice %dot_general3A_622 {offsets = [0, 0], sizes = [400, 256], strides = [1, 1]} : vector<400x768xf32> to vector<400x256xf32>
    %slice3A_624 = vector.extract_strided_slice %dot_general3A_622 {offsets = [0, 256], sizes = [400, 256], strides = [1, 1]} : vector<400x768xf32> to vector<400x256xf32>
    %add3A_625 = arith.addf %slice3A_623, %slice3A_624 : vector<400x256xf32>
    %slice3A_626 = vector.extract_strided_slice %dot_general3A_622 {offsets = [0, 512], sizes = [400, 256], strides = [1, 1]} : vector<400x768xf32> to vector<400x256xf32>
    %add3A_627 = arith.addf %add3A_625, %slice3A_626 : vector<400x256xf32>
    %convert_element_type3A_628 = arith.extui %eq3A_456 : vector<400x400xi1> to vector<400x400xi32>
    %convert_element_type3A_629 = arith.sitofp %convert_element_type3A_628 : vector<400x400xi32> to vector<400x400xf32>
    %dot_general3A_630 = arith.constant dense<0.000000e+00> : vector<400x768xf32>
    %dot_general3A_631 = tpu.matmul %convert_element_type3A_629, %concatenate3A_618, %dot_general3A_630 {dimension_numbers = #tpu.dot_dimension_numbers<[1], [0], [0], [1], [0, 0, 1, 1], [], []>, transpose_lhs_hint = false} : vector<400x400xf32>, vector<400x768xf32>, vector<400x768xf32> -> vector<400x768xf32>
    %slice3A_632 = vector.extract_strided_slice %dot_general3A_631 {offsets = [0, 0], sizes = [400, 256], strides = [1, 1]} : vector<400x768xf32> to vector<400x256xf32>
    %slice3A_633 = vector.extract_strided_slice %dot_general3A_631 {offsets = [0, 256], sizes = [400, 256], strides = [1, 1]} : vector<400x768xf32> to vector<400x256xf32>
    %add3A_634 = arith.addf %slice3A_632, %slice3A_633 : vector<400x256xf32>
    %slice3A_635 = vector.extract_strided_slice %dot_general3A_631 {offsets = [0, 512], sizes = [400, 256], strides = [1, 1]} : vector<400x768xf32> to vector<400x256xf32>
    %add3A_636 = arith.addf %add3A_634, %slice3A_635 : vector<400x256xf32>
    %mul3A_637 = vector.broadcast %mul3A_459 : vector<400x1xf32> to vector<400x256xf32>
    %mul3A_638 = arith.mulf %mul3A_637, %add3A_636 : vector<400x256xf32>
    %convert_element_type3A_639 = arith.extui %eq3A_475 : vector<400x400xi1> to vector<400x400xi32>
    %convert_element_type3A_640 = arith.sitofp %convert_element_type3A_639 : vector<400x400xi32> to vector<400x400xf32>
    %dot_general3A_641 = arith.constant dense<0.000000e+00> : vector<400x768xf32>
    %dot_general3A_642 = tpu.matmul %convert_element_type3A_640, %concatenate3A_618, %dot_general3A_641 {dimension_numbers = #tpu.dot_dimension_numbers<[1], [0], [0], [1], [0, 0, 1, 1], [], []>, transpose_lhs_hint = false} : vector<400x400xf32>, vector<400x768xf32>, vector<400x768xf32> -> vector<400x768xf32>
    %slice3A_643 = vector.extract_strided_slice %dot_general3A_642 {offsets = [0, 0], sizes = [400, 256], strides = [1, 1]} : vector<400x768xf32> to vector<400x256xf32>
    %slice3A_644 = vector.extract_strided_slice %dot_general3A_642 {offsets = [0, 256], sizes = [400, 256], strides = [1, 1]} : vector<400x768xf32> to vector<400x256xf32>
    %add3A_645 = arith.addf %slice3A_643, %slice3A_644 : vector<400x256xf32>
    %slice3A_646 = vector.extract_strided_slice %dot_general3A_642 {offsets = [0, 512], sizes = [400, 256], strides = [1, 1]} : vector<400x768xf32> to vector<400x256xf32>
    %add3A_647 = arith.addf %add3A_645, %slice3A_646 : vector<400x256xf32>
    %mul3A_648 = vector.broadcast %mul3A_478 : vector<400x1xf32> to vector<400x256xf32>
    %mul3A_649 = arith.mulf %mul3A_648, %add3A_647 : vector<400x256xf32>
    %convert_element_type3A_650 = arith.extui %eq3A_494 : vector<400x400xi1> to vector<400x400xi32>
    %convert_element_type3A_651 = arith.sitofp %convert_element_type3A_650 : vector<400x400xi32> to vector<400x400xf32>
    %dot_general3A_652 = arith.constant dense<0.000000e+00> : vector<400x768xf32>
    %dot_general3A_653 = tpu.matmul %convert_element_type3A_651, %concatenate3A_618, %dot_general3A_652 {dimension_numbers = #tpu.dot_dimension_numbers<[1], [0], [0], [1], [0, 0, 1, 1], [], []>, transpose_lhs_hint = false} : vector<400x400xf32>, vector<400x768xf32>, vector<400x768xf32> -> vector<400x768xf32>
    %slice3A_654 = vector.extract_strided_slice %dot_general3A_653 {offsets = [0, 0], sizes = [400, 256], strides = [1, 1]} : vector<400x768xf32> to vector<400x256xf32>
    %slice3A_655 = vector.extract_strided_slice %dot_general3A_653 {offsets = [0, 256], sizes = [400, 256], strides = [1, 1]} : vector<400x768xf32> to vector<400x256xf32>
    %add3A_656 = arith.addf %slice3A_654, %slice3A_655 : vector<400x256xf32>
    %slice3A_657 = vector.extract_strided_slice %dot_general3A_653 {offsets = [0, 512], sizes = [400, 256], strides = [1, 1]} : vector<400x768xf32> to vector<400x256xf32>
    %add3A_658 = arith.addf %add3A_656, %slice3A_657 : vector<400x256xf32>
    %mul3A_659 = vector.broadcast %mul3A_497 : vector<400x1xf32> to vector<400x256xf32>
    %mul3A_660 = arith.mulf %mul3A_659, %add3A_658 : vector<400x256xf32>
    %convert_element_type3A_661 = arith.extui %eq3A_513 : vector<400x400xi1> to vector<400x400xi32>
    %convert_element_type3A_662 = arith.sitofp %convert_element_type3A_661 : vector<400x400xi32> to vector<400x400xf32>
    %dot_general3A_663 = arith.constant dense<0.000000e+00> : vector<400x768xf32>
    %dot_general3A_664 = tpu.matmul %convert_element_type3A_662, %concatenate3A_618, %dot_general3A_663 {dimension_numbers = #tpu.dot_dimension_numbers<[1], [0], [0], [1], [0, 0, 1, 1], [], []>, transpose_lhs_hint = false} : vector<400x400xf32>, vector<400x768xf32>, vector<400x768xf32> -> vector<400x768xf32>
    %slice3A_665 = vector.extract_strided_slice %dot_general3A_664 {offsets = [0, 0], sizes = [400, 256], strides = [1, 1]} : vector<400x768xf32> to vector<400x256xf32>
    %slice3A_666 = vector.extract_strided_slice %dot_general3A_664 {offsets = [0, 256], sizes = [400, 256], strides = [1, 1]} : vector<400x768xf32> to vector<400x256xf32>
    %add3A_667 = arith.addf %slice3A_665, %slice3A_666 : vector<400x256xf32>
    %slice3A_668 = vector.extract_strided_slice %dot_general3A_664 {offsets = [0, 512], sizes = [400, 256], strides = [1, 1]} : vector<400x768xf32> to vector<400x256xf32>
    %add3A_669 = arith.addf %add3A_667, %slice3A_668 : vector<400x256xf32>
    %mul3A_670 = vector.broadcast %mul3A_516 : vector<400x1xf32> to vector<400x256xf32>
    %mul3A_671 = arith.mulf %mul3A_670, %add3A_669 : vector<400x256xf32>
    %convert_element_type3A_672 = arith.extui %eq3A_532 : vector<400x400xi1> to vector<400x400xi32>
    %convert_element_type3A_673 = arith.sitofp %convert_element_type3A_672 : vector<400x400xi32> to vector<400x400xf32>
    %dot_general3A_674 = arith.constant dense<0.000000e+00> : vector<400x768xf32>
    %dot_general3A_675 = tpu.matmul %convert_element_type3A_673, %concatenate3A_618, %dot_general3A_674 {dimension_numbers = #tpu.dot_dimension_numbers<[1], [0], [0], [1], [0, 0, 1, 1], [], []>, transpose_lhs_hint = false} : vector<400x400xf32>, vector<400x768xf32>, vector<400x768xf32> -> vector<400x768xf32>
    %slice3A_676 = vector.extract_strided_slice %dot_general3A_675 {offsets = [0, 0], sizes = [400, 256], strides = [1, 1]} : vector<400x768xf32> to vector<400x256xf32>
    %slice3A_677 = vector.extract_strided_slice %dot_general3A_675 {offsets = [0, 256], sizes = [400, 256], strides = [1, 1]} : vector<400x768xf32> to vector<400x256xf32>
    %add3A_678 = arith.addf %slice3A_676, %slice3A_677 : vector<400x256xf32>
    %slice3A_679 = vector.extract_strided_slice %dot_general3A_675 {offsets = [0, 512], sizes = [400, 256], strides = [1, 1]} : vector<400x768xf32> to vector<400x256xf32>
    %add3A_680 = arith.addf %add3A_678, %slice3A_679 : vector<400x256xf32>
    %mul3A_681 = vector.broadcast %mul3A_535 : vector<400x1xf32> to vector<400x256xf32>
    %mul3A_682 = arith.mulf %mul3A_681, %add3A_680 : vector<400x256xf32>
    %convert_element_type3A_683 = arith.extui %eq3A_551 : vector<400x400xi1> to vector<400x400xi32>
    %convert_element_type3A_684 = arith.sitofp %convert_element_type3A_683 : vector<400x400xi32> to vector<400x400xf32>
    %dot_general3A_685 = arith.constant dense<0.000000e+00> : vector<400x768xf32>
    %dot_general3A_686 = tpu.matmul %convert_element_type3A_684, %concatenate3A_618, %dot_general3A_685 {dimension_numbers = #tpu.dot_dimension_numbers<[1], [0], [0], [1], [0, 0, 1, 1], [], []>, transpose_lhs_hint = false} : vector<400x400xf32>, vector<400x768xf32>, vector<400x768xf32> -> vector<400x768xf32>
    %slice3A_687 = vector.extract_strided_slice %dot_general3A_686 {offsets = [0, 0], sizes = [400, 256], strides = [1, 1]} : vector<400x768xf32> to vector<400x256xf32>
    %slice3A_688 = vector.extract_strided_slice %dot_general3A_686 {offsets = [0, 256], sizes = [400, 256], strides = [1, 1]} : vector<400x768xf32> to vector<400x256xf32>
    %add3A_689 = arith.addf %slice3A_687, %slice3A_688 : vector<400x256xf32>
    %slice3A_690 = vector.extract_strided_slice %dot_general3A_686 {offsets = [0, 512], sizes = [400, 256], strides = [1, 1]} : vector<400x768xf32> to vector<400x256xf32>
    %add3A_691 = arith.addf %add3A_689, %slice3A_690 : vector<400x256xf32>
    %mul3A_692 = vector.broadcast %mul3A_554 : vector<400x1xf32> to vector<400x256xf32>
    %mul3A_693 = arith.mulf %mul3A_692, %add3A_691 : vector<400x256xf32>
    %convert_element_type3A_694 = arith.extui %eq3A_570 : vector<400x400xi1> to vector<400x400xi32>
    %convert_element_type3A_695 = arith.sitofp %convert_element_type3A_694 : vector<400x400xi32> to vector<400x400xf32>
    %dot_general3A_696 = arith.constant dense<0.000000e+00> : vector<400x768xf32>
    %dot_general3A_697 = tpu.matmul %convert_element_type3A_695, %concatenate3A_618, %dot_general3A_696 {dimension_numbers = #tpu.dot_dimension_numbers<[1], [0], [0], [1], [0, 0, 1, 1], [], []>, transpose_lhs_hint = false} : vector<400x400xf32>, vector<400x768xf32>, vector<400x768xf32> -> vector<400x768xf32>
    %slice3A_698 = vector.extract_strided_slice %dot_general3A_697 {offsets = [0, 0], sizes = [400, 256], strides = [1, 1]} : vector<400x768xf32> to vector<400x256xf32>
    %slice3A_699 = vector.extract_strided_slice %dot_general3A_697 {offsets = [0, 256], sizes = [400, 256], strides = [1, 1]} : vector<400x768xf32> to vector<400x256xf32>
    %add3A_700 = arith.addf %slice3A_698, %slice3A_699 : vector<400x256xf32>
    %slice3A_701 = vector.extract_strided_slice %dot_general3A_697 {offsets = [0, 512], sizes = [400, 256], strides = [1, 1]} : vector<400x768xf32> to vector<400x256xf32>
    %add3A_702 = arith.addf %add3A_700, %slice3A_701 : vector<400x256xf32>
    %mul3A_703 = vector.broadcast %mul3A_573 : vector<400x1xf32> to vector<400x256xf32>
    %mul3A_704 = arith.mulf %mul3A_703, %add3A_702 : vector<400x256xf32>
    %convert_element_type3A_705 = arith.extui %eq3A_589 : vector<400x400xi1> to vector<400x400xi32>
    %convert_element_type3A_706 = arith.sitofp %convert_element_type3A_705 : vector<400x400xi32> to vector<400x400xf32>
    %dot_general3A_707 = arith.constant dense<0.000000e+00> : vector<400x768xf32>
    %dot_general3A_708 = tpu.matmul %convert_element_type3A_706, %concatenate3A_618, %dot_general3A_707 {dimension_numbers = #tpu.dot_dimension_numbers<[1], [0], [0], [1], [0, 0, 1, 1], [], []>, transpose_lhs_hint = false} : vector<400x400xf32>, vector<400x768xf32>, vector<400x768xf32> -> vector<400x768xf32>
    %slice3A_709 = vector.extract_strided_slice %dot_general3A_708 {offsets = [0, 0], sizes = [400, 256], strides = [1, 1]} : vector<400x768xf32> to vector<400x256xf32>
    %slice3A_710 = vector.extract_strided_slice %dot_general3A_708 {offsets = [0, 256], sizes = [400, 256], strides = [1, 1]} : vector<400x768xf32> to vector<400x256xf32>
    %add3A_711 = arith.addf %slice3A_709, %slice3A_710 : vector<400x256xf32>
    %slice3A_712 = vector.extract_strided_slice %dot_general3A_708 {offsets = [0, 512], sizes = [400, 256], strides = [1, 1]} : vector<400x768xf32> to vector<400x256xf32>
    %add3A_713 = arith.addf %add3A_711, %slice3A_712 : vector<400x256xf32>
    %mul3A_714 = vector.broadcast %mul3A_592 : vector<400x1xf32> to vector<400x256xf32>
    %mul3A_715 = arith.mulf %mul3A_714, %add3A_713 : vector<400x256xf32>
    %convert_element_type3A_716 = arith.extui %eq3A_608 : vector<400x400xi1> to vector<400x400xi32>
    %convert_element_type3A_717 = arith.sitofp %convert_element_type3A_716 : vector<400x400xi32> to vector<400x400xf32>
    %dot_general3A_718 = arith.constant dense<0.000000e+00> : vector<400x768xf32>
    %dot_general3A_719 = tpu.matmul %convert_element_type3A_717, %concatenate3A_618, %dot_general3A_718 {dimension_numbers = #tpu.dot_dimension_numbers<[1], [0], [0], [1], [0, 0, 1, 1], [], []>, transpose_lhs_hint = false} : vector<400x400xf32>, vector<400x768xf32>, vector<400x768xf32> -> vector<400x768xf32>
    %slice3A_720 = vector.extract_strided_slice %dot_general3A_719 {offsets = [0, 0], sizes = [400, 256], strides = [1, 1]} : vector<400x768xf32> to vector<400x256xf32>
    %slice3A_721 = vector.extract_strided_slice %dot_general3A_719 {offsets = [0, 256], sizes = [400, 256], strides = [1, 1]} : vector<400x768xf32> to vector<400x256xf32>
    %add3A_722 = arith.addf %slice3A_720, %slice3A_721 : vector<400x256xf32>
    %slice3A_723 = vector.extract_strided_slice %dot_general3A_719 {offsets = [0, 512], sizes = [400, 256], strides = [1, 1]} : vector<400x768xf32> to vector<400x256xf32>
    %add3A_724 = arith.addf %add3A_722, %slice3A_723 : vector<400x256xf32>
    %mul3A_725 = vector.broadcast %mul3A_611 : vector<400x1xf32> to vector<400x256xf32>
    %mul3A_726 = arith.mulf %mul3A_725, %add3A_724 : vector<400x256xf32>
    %add3A_727 = arith.addf %add3A_627, %mul3A_715 : vector<400x256xf32>
    %add3A_728 = arith.addf %mul3A_638, %mul3A_726 : vector<400x256xf32>
    %add3A_729 = arith.addf %add3A_727, %mul3A_671 : vector<400x256xf32>
    %add3A_730 = arith.addf %add3A_728, %mul3A_682 : vector<400x256xf32>
    %add3A_731 = arith.addf %mul3A_649, %mul3A_693 : vector<400x256xf32>
    %add3A_732 = arith.addf %mul3A_660, %mul3A_704 : vector<400x256xf32>
    %add3A_733 = arith.addf %add3A_729, %add3A_731 : vector<400x256xf32>
    %add3A_734 = arith.addf %add3A_730, %add3A_732 : vector<400x256xf32>
    %add3A_735 = arith.addf %add3A_733, %add3A_734 : vector<400x256xf32>
    %add3A_736 = arith.addf %broadcast_in_dim3A_440, %mul3A_592 : vector<400x1xf32>
    %add3A_737 = arith.addf %mul3A_459, %mul3A_611 : vector<400x1xf32>
    %add3A_738 = arith.addf %add3A_736, %mul3A_516 : vector<400x1xf32>
    %add3A_739 = arith.addf %add3A_737, %mul3A_535 : vector<400x1xf32>
    %add3A_740 = arith.addf %mul3A_478, %mul3A_554 : vector<400x1xf32>
    %add3A_741 = arith.addf %mul3A_497, %mul3A_573 : vector<400x1xf32>
    %add3A_742 = arith.addf %add3A_738, %add3A_740 : vector<400x1xf32>
    %add3A_743 = arith.addf %add3A_739, %add3A_741 : vector<400x1xf32>
    %add3A_744 = arith.addf %add3A_742, %add3A_743 : vector<400x1xf32>
    %div3A_745 = vector.broadcast %add3A_744 : vector<400x1xf32> to vector<400x256xf32>
    %div3A_746 = arith.divf %add3A_735, %div3A_745 : vector<400x256xf32>
    %dot_general3A_747 = arith.constant dense<0.000000e+00> : vector<1x400xf32>
    %dot_general3A_748 = tpu.matmul %get3A_416, %div3A_746, %dot_general3A_747 {dimension_numbers = #tpu.dot_dimension_numbers<[1], [1], [0], [0], [0, 0, 1, 0], [], []>, transpose_lhs_hint = false} : vector<1x256xf32>, vector<400x256xf32>, vector<1x400xf32> -> vector<1x400xf32>
    %eq3A_749 = arith.cmpi eq, %iota3A_423, %iota3A_422 : vector<400x400xi32>
    %convert_element_type3A_750 = arith.extui %eq3A_749 : vector<400x400xi1> to vector<400x400xi32>
    %convert_element_type3A_751 = arith.sitofp %convert_element_type3A_750 : vector<400x400xi32> to vector<400x400xf32>
    %convert_element_type3A_752 = arith.truncf %dot_general3A_748 : vector<1x400xf32> to vector<1x400xbf16>
    %convert_element_type3A_753 = arith.extf %convert_element_type3A_752 : vector<1x400xbf16> to vector<1x400xf32>
    %sub3A_754 = arith.subf %dot_general3A_748, %convert_element_type3A_753 : vector<1x400xf32>
    %convert_element_type3A_755 = arith.truncf %sub3A_754 : vector<1x400xf32> to vector<1x400xbf16>
    %convert_element_type3A_756 = arith.extf %convert_element_type3A_755 : vector<1x400xbf16> to vector<1x400xf32>
    %sub3A_757 = arith.subf %sub3A_754, %convert_element_type3A_756 : vector<1x400xf32>
    %concatenate3A_758 = tpu.concatenate %convert_element_type3A_753, %convert_element_type3A_756, %sub3A_757 in 0 : vector<1x400xf32>, vector<1x400xf32>, vector<1x400xf32> -> vector<3x400xf32>
    %dot_general3A_759 = arith.constant dense<0.000000e+00> : vector<400x3xf32>
    %dot_general3A_760 = tpu.matmul %convert_element_type3A_751, %concatenate3A_758, %dot_general3A_759 {dimension_numbers = #tpu.dot_dimension_numbers<[1], [1], [0], [0], [0, 0, 1, 0], [], []>, transpose_lhs_hint = false} : vector<400x400xf32>, vector<3x400xf32>, vector<400x3xf32> -> vector<400x3xf32>
    %slice3A_761 = vector.extract_strided_slice %dot_general3A_760 {offsets = [0, 0], sizes = [400, 1], strides = [1, 1]} : vector<400x3xf32> to vector<400x1xf32>
    %slice3A_762 = vector.extract_strided_slice %dot_general3A_760 {offsets = [0, 1], sizes = [400, 1], strides = [1, 1]} : vector<400x3xf32> to vector<400x1xf32>
    %add3A_763 = arith.addf %slice3A_761, %slice3A_762 : vector<400x1xf32>
    %slice3A_764 = vector.extract_strided_slice %dot_general3A_760 {offsets = [0, 2], sizes = [400, 1], strides = [1, 1]} : vector<400x3xf32> to vector<400x1xf32>
    %add3A_765 = arith.addf %add3A_763, %slice3A_764 : vector<400x1xf32>
    %gt3A_766 = vector.broadcast %dot_general3A_748 : vector<1x400xf32> to vector<400x400xf32>
    %gt3A_767 = vector.broadcast %add3A_765 : vector<400x1xf32> to vector<400x400xf32>
    %gt3A_768 = arith.cmpf ogt, %gt3A_766, %gt3A_767 : vector<400x400xf32>
    %convert_element_type3A_769 = arith.extui %gt3A_768 : vector<400x400xi1> to vector<400x400xi32>
    %convert_element_type3A_770 = arith.sitofp %convert_element_type3A_769 : vector<400x400xi32> to vector<400x400xf32>
    %eq3A_771 = vector.broadcast %dot_general3A_748 : vector<1x400xf32> to vector<400x400xf32>
    %eq3A_772 = vector.broadcast %add3A_765 : vector<400x1xf32> to vector<400x400xf32>
    %eq3A_773 = arith.cmpf oeq, %eq3A_771, %eq3A_772 : vector<400x400xf32>
    %lt3A_774 = arith.cmpi slt, %iota3A_422, %iota3A_423 : vector<400x400xi32>
    %and3A_775 = arith.andi %eq3A_773, %lt3A_774 : vector<400x400xi1>
    %convert_element_type3A_776 = arith.extui %and3A_775 : vector<400x400xi1> to vector<400x400xi32>
    %convert_element_type3A_777 = arith.sitofp %convert_element_type3A_776 : vector<400x400xi32> to vector<400x400xf32>
    %broadcast_in_dim3A_778 = arith.constant 1.000000e+00 : f32
    %broadcast_in_dim3A_779 = vector.broadcast %broadcast_in_dim3A_778 : f32 to vector<400x1xf32>
    %add3A_780 = arith.addf %convert_element_type3A_770, %convert_element_type3A_777 : vector<400x400xf32>
    %dot_general3A_781 = arith.constant dense<0.000000e+00> : vector<400x1xf32>
    %dot_general3A_782 = tpu.matmul %add3A_780, %broadcast_in_dim3A_779, %dot_general3A_781 {dimension_numbers = #tpu.dot_dimension_numbers<[1], [0], [0], [1], [0, 0, 1, 1], [], []>, transpose_lhs_hint = false} : vector<400x400xf32>, vector<400x1xf32>, vector<400x1xf32> -> vector<400x1xf32>
    %round3A_783 = math.roundeven %dot_general3A_782 : vector<400x1xf32>
    %convert_element_type3A_784 = arith.fptosi %round3A_783 : vector<400x1xf32> to vector<400x1xi32>
    %eq3A_785 = vector.broadcast %convert_element_type3A_784 : vector<400x1xi32> to vector<400x400xi32>
    %eq3A_786 = arith.cmpi eq, %eq3A_785, %iota3A_422 : vector<400x400xi32>
    %convert_element_type3A_787 = arith.extui %eq3A_786 : vector<400x400xi1> to vector<400x400xi32>
    %convert_element_type3A_788 = arith.sitofp %convert_element_type3A_787 : vector<400x400xi32> to vector<400x400xf32>
    %iota3A_789 = tpu.iota {dimensions = array<i32: 1>} : vector<1x400xi32>
    %convert_element_type3A_790 = arith.sitofp %iota3A_789 : vector<1x400xi32> to vector<1x400xf32>
    %convert_element_type3A_791 = arith.truncf %convert_element_type3A_790 : vector<1x400xf32> to vector<1x400xbf16>
    %convert_element_type3A_792 = arith.extf %convert_element_type3A_791 : vector<1x400xbf16> to vector<1x400xf32>
    %sub3A_793 = arith.subf %convert_element_type3A_790, %convert_element_type3A_792 : vector<1x400xf32>
    %convert_element_type3A_794 = arith.sitofp %get3A_421 : vector<1x400xi32> to vector<1x400xf32>
    %convert_element_type3A_795 = arith.truncf %convert_element_type3A_794 : vector<1x400xf32> to vector<1x400xbf16>
    %convert_element_type3A_796 = arith.extf %convert_element_type3A_795 : vector<1x400xbf16> to vector<1x400xf32>
    %sub3A_797 = arith.subf %convert_element_type3A_794, %convert_element_type3A_796 : vector<1x400xf32>
    %concatenate3A_798 = tpu.concatenate %convert_element_type3A_792, %sub3A_793, %convert_element_type3A_796, %sub3A_797 in 0 : vector<1x400xf32>, vector<1x400xf32>, vector<1x400xf32>, vector<1x400xf32> -> vector<4x400xf32>
    %dot_general3A_799 = arith.constant dense<0.000000e+00> : vector<4x400xf32>
    %dot_general3A_800 = tpu.matmul %concatenate3A_798, %convert_element_type3A_788, %dot_general3A_799 {dimension_numbers = #tpu.dot_dimension_numbers<[1], [0], [0], [1], [0, 0, 1, 1], [], []>, transpose_lhs_hint = false} : vector<4x400xf32>, vector<400x400xf32>, vector<4x400xf32> -> vector<4x400xf32>
    %slice3A_801 = vector.extract_strided_slice %dot_general3A_800 {offsets = [0, 0], sizes = [1, 400], strides = [1, 1]} : vector<4x400xf32> to vector<1x400xf32>
    %slice3A_802 = vector.extract_strided_slice %dot_general3A_800 {offsets = [1, 0], sizes = [1, 400], strides = [1, 1]} : vector<4x400xf32> to vector<1x400xf32>
    %add3A_803 = arith.addf %slice3A_801, %slice3A_802 : vector<1x400xf32>
    %slice3A_804 = vector.extract_strided_slice %dot_general3A_800 {offsets = [2, 0], sizes = [1, 400], strides = [1, 1]} : vector<4x400xf32> to vector<1x400xf32>
    %slice3A_805 = vector.extract_strided_slice %dot_general3A_800 {offsets = [3, 0], sizes = [1, 400], strides = [1, 1]} : vector<4x400xf32> to vector<1x400xf32>
    %add3A_806 = arith.addf %slice3A_804, %slice3A_805 : vector<1x400xf32>
    %round3A_807 = math.roundeven %add3A_806 : vector<1x400xf32>
    %convert_element_type3A_808 = arith.fptosi %round3A_807 : vector<1x400xf32> to vector<1x400xi32>
    %round3A_809 = math.roundeven %add3A_803 : vector<1x400xf32>
    %convert_element_type3A_810 = arith.fptosi %round3A_809 : vector<1x400xf32> to vector<1x400xi32>
    %swap3A_811 = arith.constant 1 : index
    %swap3A_812 = arith.constant 0 : index
    %swap3A_813 = arith.constant 0 : index
    %swap3A_814 = vector.load %arg4[%swap3A_811, %swap3A_812, %swap3A_813] : memref<2x1x400xi32, #tpu.memory_space<vmem>>, vector<1x1x400xi32>
    %swap3A_815 = vector.shape_cast %swap3A_814 : vector<1x1x400xi32> to vector<1x400xi32>
    %swap3A_816 = vector.shape_cast %convert_element_type3A_808 : vector<1x400xi32> to vector<1x1x400xi32>
    tpu.vector_store %arg4[%swap3A_811, %swap3A_812, %swap3A_813], %swap3A_816 {strides = array<i32>} : memref<2x1x400xi32, #tpu.memory_space<vmem>>, vector<1x1x400xi32>,
    %swap3A_817 = arith.constant 1 : index
    %swap3A_818 = arith.constant 0 : index
    %swap3A_819 = arith.constant 0 : index
    %swap3A_820 = vector.load %arg5[%swap3A_817, %swap3A_818, %swap3A_819] : memref<2x1x400xf32, #tpu.memory_space<vmem>>, vector<1x1x400xf32>
    %swap3A_821 = vector.shape_cast %swap3A_820 : vector<1x1x400xf32> to vector<1x400xf32>
    %swap3A_822 = vector.shape_cast %dot_general3A_748 : vector<1x400xf32> to vector<1x1x400xf32>
    tpu.vector_store %arg5[%swap3A_817, %swap3A_818, %swap3A_819], %swap3A_822 {strides = array<i32>} : memref<2x1x400xf32, #tpu.memory_space<vmem>>, vector<1x1x400xf32>,
    %swap3A_823 = arith.constant 1 : index
    %swap3A_824 = arith.constant 0 : index
    %swap3A_825 = arith.constant 0 : index
    %swap3A_826 = vector.load %arg6[%swap3A_823, %swap3A_824, %swap3A_825] : memref<2x1x400xi32, #tpu.memory_space<vmem>>, vector<1x1x400xi32>
    %swap3A_827 = vector.shape_cast %swap3A_826 : vector<1x1x400xi32> to vector<1x400xi32>
    %swap3A_828 = vector.shape_cast %convert_element_type3A_810 : vector<1x400xi32> to vector<1x1x400xi32>
    tpu.vector_store %arg6[%swap3A_823, %swap3A_824, %swap3A_825], %swap3A_828 {strides = array<i32>} : memref<2x1x400xi32, #tpu.memory_space<vmem>>, vector<1x1x400xi32>,
    %swap3A_829 = arith.constant 1 : index
    %swap3A_830 = arith.constant 0 : index
    %swap3A_831 = arith.constant 0 : index
    %swap3A_832 = vector.load %arg7[%swap3A_829, %swap3A_830, %swap3A_831] : memref<2x400x256xf32, #tpu.memory_space<vmem>>, vector<1x400x256xf32>
    %swap3A_833 = vector.shape_cast %swap3A_832 : vector<1x400x256xf32> to vector<400x256xf32>
    %swap3A_834 = vector.shape_cast %div3A_746 : vector<400x256xf32> to vector<1x400x256xf32>
    tpu.vector_store %arg7[%swap3A_829, %swap3A_830, %swap3A_831], %swap3A_834 {strides = array<i32>} : memref<2x400x256xf32, #tpu.memory_space<vmem>>, vector<1x400x256xf32>,
    return
  }
  func.func @transform_0(%arg0: i32) -> (i32, i32, i32) {
    %c0_i32 = arith.constant 0 : i32
    %c0_i32_0 = arith.constant 0 : i32
    %c0_i32_1 = arith.constant 0 : i32
    return %arg0, %c0_i32, %c0_i32_0 : i32, i32, i32
  }
  func.func @transform_1(%arg0: i32) -> (i32, i32, i32) {
    %c0_i32 = arith.constant 0 : i32
    %c0_i32_0 = arith.constant 0 : i32
    %c0_i32_1 = arith.constant 0 : i32
    return %arg0, %c0_i32, %c0_i32_0 : i32, i32, i32
  }
  func.func @transform_2(%arg0: i32) -> (i32, i32, i32) {
    %c0_i32 = arith.constant 0 : i32
    %c0_i32_0 = arith.constant 0 : i32
    %c0_i32_1 = arith.constant 0 : i32
    return %arg0, %c0_i32, %c0_i32_0 : i32, i32, i32
  }
  func.func @transform_3(%arg0: i32) -> (i32, i32, i32) {
    %c0_i32 = arith.constant 0 : i32
    %c0_i32_0 = arith.constant 0 : i32
    %c0_i32_1 = arith.constant 0 : i32
    return %arg0, %c0_i32, %c0_i32_0 : i32, i32, i32
  }
  func.func @transform_4(%arg0: i32) -> (i32, i32, i32) {
    %c0_i32 = arith.constant 0 : i32
    %c0_i32_0 = arith.constant 0 : i32
    %c0_i32_1 = arith.constant 0 : i32
    return %arg0, %c0_i32, %c0_i32_0 : i32, i32, i32
  }
  func.func @transform_5(%arg0: i32) -> (i32, i32, i32) {
    %c0_i32 = arith.constant 0 : i32
    %c0_i32_0 = arith.constant 0 : i32
    %c0_i32_1 = arith.constant 0 : i32
    return %arg0, %c0_i32, %c0_i32_0 : i32, i32, i32
  }
  func.func @transform_6(%arg0: i32) -> (i32, i32, i32) {
    %c0_i32 = arith.constant 0 : i32
    %c0_i32_0 = arith.constant 0 : i32
    %c0_i32_1 = arith.constant 0 : i32
    return %arg0, %c0_i32, %c0_i32_0 : i32, i32, i32
  }
}

</mosaic_0001>

<sc_bundles>
// kernel: kernel.4.cloned.1.call-start
scs
__scs_entry_jumppad:
0x0: {  	(pc) =	sbr.rel $0x88, $3  }
0x1: {  	(tag) =	ssettag $0x0;
	lr =	simm.s32 $0x1  }
0x2: {  	[smem:$0x3F9E] =	sst lr;
	_ =	strace $0xD0000000  }
0x3: {  	_ = 	snop  }
0x4: {  	_ = 	snop  }
0x5: {  	_ = 	snop  }
0x6: {  	_ = 	snop  }
0x7: {  	_ = 	snop  }
__scs_overlays_trampoline_lowered:
0x8: {  	[smem:$0x3FAD] =	sst s0  }
0x9: {  	[smem:$0x3FAE] =	sst s1  }
0xa: {  	[smem:$0x3FAF] =	sst s2  }
0xb: {  	[smem:$0x3FB0] =	sst s3  }
0xc: {  	[smem:$0x3FB1] =	sst s4  }
0xd: {  	[smem:$0x3FB2] =	sst s5  }
0xe: {  	[smem:$0x3FB3] =	sst s6  }
0xf: {  	[smem:$0x3FB4] =	sst s7  }
0x10: {  	[smem:$0x3FB5] =	sst s8  }
0x11: {  	[smem:$0x3FB6] =	sst s9;
	s0 =	simm.s32 @!p0 $0x0  }
0x12: {  	s1 =	sld [smem:$0x3F9C];
	s0 =	simm.s32 @p0 $0x1  }
0x13: {  	[smem:$0x3FB7] =	sst s0;
	s0 =	simm.s32 @!p1 $0x0  }
0x14: {  	s2 =	sld [smem:$0x3F9B];
	s0 =	simm.s32 @p1 $0x1  }
0x15: {  	[smem:$0x3FB8] =	sst s0;
	s0 =	simm.s32 @!p2 $0x0  }
0x16: {  	s3 =	sld [smem:$0x3FDB];
	s0 =	simm.s32 @p2 $0x1  }
0x17: {  	s4 =	simm.s32 $0x1BF5;
	[smem:$0x3FBA] =	sst s0  }
0x18: {  	s0 =	sld [smem:$0x3F9D];
	_ =	swait.ge [sflag:s4], $0x0  }
0x19: {  	s7 =	sld [smem:$0x3F9E]  }
0x1a: {  	s8 =	sadd.s32 $0xFFFFE003, lr  }
0x1b: {  	s9 =	sadd.s32 $0xFFFFFEF7, lr;
	s5 =	simm.s32 $0xFFFFFFFF;
	p2 =	slt.u32 s8, $0xFFFFF086  }
0x1c: {  	p1 =	slt.u32 s9, $0xF7A;
	s5 =	simm.s32 @!p2 $0x0  }
0x1d: {  	s5 =	simm.s32 @p1 $0x1;
	p0 =	seq.s32 s7, s2  }
0x1e: {  	s7 =	smul.u32 @!p0 $0xF7A, s2;
	p2 =	seq.s32 @!p0 s5, $0x0  }
0x1f: {  	s9 =	smul.u32 $0xF7A, s1;
	s8 =	simm.s32 @!p0 $0x1BF5;
	p2 =	por !p2, p0  }
0x20: {  	[sflag:s8] =	ssyncset.s32 @!p0 $0xFFFFF086;
	s6 =	sadd.s32 @!p0 s3, s7;
	s7 =	simm.s32 @!p0 $0x108  }
0x21: {  	s3 =	sadd.s32 s3, s9;
	s6 =	sadd.s32 @!p0 $0x88, s6;
	s7 =	simm.s32 @p2 $0x1082  }
0x22: {  	[simem:s7], [sflag:s8] =	dma.local @!p0 [hbm:s6], $0xF7A  }
0x23: {  	s9 =	sor.u32 $0xD0000000, s2;
	s6 =	simm.s32 $0x108;
	_ =	swait.ge @!p0 [sflag:s8], $0x0  }
0x24: {  	s3 =	sadd.s32 $0x88, s3;
	s6 =	simm.s32 @!p1 $0x1082;
	[sflag:s4] =	ssyncset.s32 $0xFFFFF086  }
0x25: {  	[simem:s6], [sflag:s4] =	dma.local [hbm:s3], $0xF7A  }
0x26: {  	[smem:$0x3F9E] =	sst s1;
	(tag) =	ssettag s2;
	_ =	strace s9  }
0x27: {  	s1 =	sld [smem:$0x3FAE]  }
0x28: {  	s2 =	sld [smem:$0x3FAF]  }
0x29: {  	s4 =	sld [smem:$0x3FB1]  }
0x2a: {  	p0 =	seq.s32 s5, $0x0;
	s5 =	sld [smem:$0x3FB2]  }
0x2b: {  	s6 =	sld [smem:$0x3FB3]  }
0x2c: {  	s7 =	sld [smem:$0x3FB4]  }
0x2d: {  	s3 =	simm.s32 $0x108;
	s8 =	sld [smem:$0x3FB5]  }
0x2e: {  	s3 =	simm.s32 @!p0 $0x1082;
	s9 =	sld [smem:$0x3FB6]  }
0x2f: {  	lr =	sadd.s32 s0, s3;
	s0 =	sld [smem:$0x3FAD]  }
0x30: {  	s3 =	sld [smem:$0x3FB0]  }
0x31: {  	[smem:$0x3FB9] =	sst s10  }
0x32: {  	s10 =	sld [smem:$0x3FB7];
	_ =	sdelay $0x3  }
0x33: {  	p0 =	seq.s32 s10, $0x1;
	s10 =	sld [smem:$0x3FB9];
	_ =	sdelay $0x3  }
0x34: {  	[smem:$0x3FB9] =	sst s10  }
0x35: {  	s10 =	sld [smem:$0x3FB8];
	_ =	sdelay $0x3  }
0x36: {  	p1 =	seq.s32 s10, $0x1;
	s10 =	sld [smem:$0x3FB9];
	_ =	sdelay $0x3  }
0x37: {  	[smem:$0x3FB9] =	sst s10  }
0x38: {  	s10 =	sld [smem:$0x3FBA]  }
0x39: {  	_ = 	snop;
	(pc) =	sbr.ind lr, $3  }
0x3a: {  	_ = 	snop  }
0x3b: {  	_ = 	snop  }
0x3c: {  	p2 =	seq.s32 s10, $0x1;
	s10 =	sld [smem:$0x3FB9]  }
0x3d: {  	_ =	shalt  }
0x3e: {  	_ =	shalt  }
0x3f: {  	_ =	shalt  }
0x40: {  	_ =	shalt  }
0x41: {  	_ =	shalt  }
0x42: {  	_ =	shalt  }
0x43: {  	_ =	shalt  }
0x44: {  	_ =	shalt  }
0x45: {  	_ =	shalt  }
0x46: {  	_ =	shalt  }
0x47: {  	_ =	shalt  }
0x48: {  	_ =	shalt  }
0x49: {  	_ =	shalt  }
0x4a: {  	_ =	shalt  }
0x4b: {  	_ =	shalt  }
0x4c: {  	_ =	shalt  }
0x4d: {  	_ =	shalt  }
0x4e: {  	_ =	shalt  }
0x4f: {  	_ =	shalt  }
0x50: {  	_ =	shalt  }
0x51: {  	_ =	shalt  }
0x52: {  	_ =	shalt  }
0x53: {  	_ =	shalt  }
0x54: {  	_ =	shalt  }
0x55: {  	_ =	shalt  }
0x56: {  	_ =	shalt  }
0x57: {  	_ =	shalt  }
0x58: {  	_ =	shalt  }
0x59: {  	_ =	shalt  }
0x5a: {  	_ =	shalt  }
0x5b: {  	_ =	shalt  }
0x5c: {  	_ =	shalt  }
0x5d: {  	_ =	shalt  }
0x5e: {  	_ =	shalt  }
0x5f: {  	_ =	shalt  }
0x60: {  	_ =	shalt  }
0x61: {  	_ =	shalt  }
0x62: {  	_ =	shalt  }
0x63: {  	_ =	shalt  }
0x64: {  	_ =	shalt  }
0x65: {  	_ =	shalt  }
0x66: {  	_ =	shalt  }
0x67: {  	_ =	shalt  }
0x68: {  	_ =	shalt  }
0x69: {  	_ =	shalt  }
0x6a: {  	_ =	shalt  }
0x6b: {  	_ =	shalt  }
0x6c: {  	_ =	shalt  }
0x6d: {  	_ =	shalt  }
0x6e: {  	_ =	shalt  }
0x6f: {  	_ =	shalt  }
0x70: {  	_ =	shalt  }
0x71: {  	_ =	shalt  }
0x72: {  	_ =	shalt  }
0x73: {  	_ =	shalt  }
0x74: {  	_ =	shalt  }
0x75: {  	_ =	shalt  }
0x76: {  	_ =	shalt  }
0x77: {  	_ =	shalt  }
0x78: {  	_ =	shalt  }
0x79: {  	_ =	shalt  }
0x7a: {  	_ =	shalt  }
0x7b: {  	_ =	shalt  }
0x7c: {  	_ =	shalt  }
0x7d: {  	_ =	shalt  }
0x7e: {  	_ =	shalt  }
0x7f: {  	_ =	shalt  }
0x80: {  	_ =	shalt  }
0x81: {  	_ =	shalt  }
0x82: {  	_ =	shalt  }
0x83: {  	_ =	shalt  }
0x84: {  	_ =	shalt  }
0x85: {  	_ =	shalt  }
0x86: {  	_ =	shalt  }
0x87: {  	_ =	shalt  }
.Lfunc_end0:
.L_simem_size_0:
called_computation_lowered:
.L_overlay_start_0:
0x88: {  	s2 =	sld [smem:$0x3FD9]  }
0x89: {  	s3 =	sld [smem:$0x3FFE];
	_ =	sdelay $0x1  }
0x8a: {  	s1 =	srdreg.scid  }
0x8b: {  	s0 =	sand.u32 $0x1, s1  }
0x8c: {  	s14 =	sshll.u32 s0, $0xA;
	s2 =	sadd.s32 s3, s2  }
0x8d: {  	s2 =	sadd.s32 s2, s14  }
0x8e: {  	[smem:$0x3FC5] =	sst s2  }
0x8f: {  	_ = 	snop  }
0x90: {  	s2 =	sld [smem:$0x3FD0];
	_ =	sdelay $0x2  }
0x91: {  	s4 =	simm.s32 $0xA;
	s5 =	simm.s32 $0x10;
	s15 =	sld [smem:$0x3FC9]  }
0x92: {  	[smem:s5], [sflag:s4] =	dma.local [hbm:s2], $0x1  }
0x93: {  	_ =	swait.eq [sflag:s4], $0x1  }
0x94: {  	[sflag:s4] =	ssyncset.done $0x0  }
0x95: {  	[sflag:s4] =	ssyncadd.s32 $0xFFFFFFFF  }
0x96: {  	s16 =	sld [smem:$0x11];
	(tm) =	ssettm $0x1  }
0x97: {  	s17 =	sld [smem:$0x3FFB];
	_ =	sdelay $0x3  }
0x98: {  	_ =	strace s17  }
0x99: {  	s4 =	sld [smem:$0x3FFC];
	_ =	sdelay $0x3  }
0x9a: {  	_ =	strace s4  }
0x9b: {  	s4 =	sld [smem:$0x3FFD];
	_ =	sdelay $0x3  }
0x9c: {  	_ =	strace s4  }
0x9d: {  	_ =	strace $0x8FFFFFFF  }
0x9e: {  	s18 =	sld [smem:$0x3FDB];
	_ =	sdelay $0x1  }
0x9f: {  	s19 =	simm.s32 $_scs_section_size  }
0xa0: {  	s6 =	simm.s32 $_size__tile_overlayer_lowered;
	s7 =	simm.s32 $_tile_overlayer_lowered  }
0xa1: {  	s22 =	simm.s32 $0x1BFF;
	s21 =	sshll.u32 s7, $0x1;
	s4 =	sadd.s32 s19, s18  }
0xa2: {  	s8 =	simm.s32 $0x0;
	s20 =	sshll.u32 s6, $0x1;
	s6 =	sadd.s32 s21, s4  }
0xa3: {  	[timem:s8], [sflag:s22] =	dma.local [hbm:s6], s20  }
0xa4: {  	_ =	swait.ge [sflag:s22], s20  }
0xa5: {  	s5 =	ssub.s32 $0x0, s20;
	[sflag:s22] =	ssyncset.done $0x0  }
0xa6: {  	[sflag:s22] =	ssyncadd.s32 s5;
	_ =	sdelay $0x1  }
0xa7: {  	s23 =	simm.s32 $0x1B8B  }
0xa8: {  	_ =	swait.ge [sflag:s23], $0x1  }
0xa9: {  	[sflag:s23] =	ssyncset.done $0x0  }
0xaa: {  	s25 =	simm.s32 $0x1B8E;
	s24 =	sld [smem:$0x3FFE];
	[sflag:s23] =	ssyncadd.s32 $0xFFFFFFFF  }
0xab: {  	s26 =	simm.s32 $execute0_lowered;
	[smem:$0x3FD2] =	sst s25  }
0xac: {  	s6 =	sshll.u32 s26, $0x1;
	_ =	strace $0x80000046;
	[dreg:$0x1] =	wrdreg $0xFFFFFFFF  }
0xad: {  	s28 =	simm.s32 $_size_execute0_lowered;
	s4 =	sadd.s32 s4, s6;
	[dreg:$0x0] =	wrdreg $0x0  }
0xae: {  	s6 =	sshll.u32 s28, $0x1;
	[dreg:$0x2] =	wrdreg s4  }
0xaf: {  	[dreg:$0x3] =	wrdreg s6  }
0xb0: {  	[dreg:$0x4] =	wrdreg $0xC0  }
0xb1: {  	_ =	task [dreg:s8], $0x5FFFF  }
0xb2: {  	[dreg:$0x1] =	wrdreg $0xFFFFFFFF  }
0xb3: {  	[dreg:$0x0] =	wrdreg $0x60  }
0xb4: {  	[dreg:$0x2] =	wrdreg s15  }
0xb5: {  	[dreg:$0x3] =	wrdreg s16  }
0xb6: {  	[dreg:$0x4] =	wrdreg s24  }
0xb7: {  	[dreg:$0x5] =	wrdreg $0x9  }
0xb8: {  	_ =	task.clear_ibuf [dreg:s8], $0x6FFFF;
	_ =	strace $0x90000046  }
0xb9: {  	s29 =	simm.s32 $0x9;
	_ =	strace $0x80000048  }
0xba: {  	_ =	swait.ge [sflag:s29], $0x1  }
0xbb: {  	[sflag:s29] =	ssyncadd.s32 $0xFFFFFFFF  }
0xbc: {  	_ =	strace $0x90000048  }
0xbd: {  	_ =	sfence  }
0xbe: {  	s30 =	sld [smem:$0x0];
	_ =	sdelay $0x2  }
0xbf: {  	s31 =	sshll.u32 s1, $0xD;
	s1 =	sshrl.u32 s1, $0x2  }
0xc0: {  	s3 =	sand.u32 $0x4000, s31;
	s1 =	sadd.s32 s1, s30  }
0xc1: {  	s0 =	sor.u32 s3, s0;
	s1 =	sshll.u32 s1, $0x11  }
0xc2: {  	s0 =	sor.u32 s1, s0  }
0xc3: {  	s0 =	sadd.s32 $0x8F2B, s0  }
0xc4: {  	[sflag:s0] =	ssyncadd.remote.s32 $0x1  }
0xc5: {  	_ =	sfence.sel $0xFFFF  }
0xc6: {  	[dreg:$0x0] =	wrdreg $0xFFFFFFFF;
	(pc) =	sbr.abs _section_cstart, $3  }
0xc7: {  	[dreg:$0x1] =	wrdreg $0xFFFFFFFF  }
0xc8: {  	_ =	task.clear_ibuf [dreg:s8], $0x2FFFF;
	_ =	strace $0x9FFFFFFF  }
0xc9: {  	(tm) =	ssettm $0x7FFFFFFF  }
tec
execute0_lowered:
.L_overlay_start_1:
0x0: {  	(tag) =	ssettag $0x1  }
0x1: {  	s2 =	srdreg.scid;
	s1 =	rddreg [dreg:$0x0]  }
0x2: {  	s0 =	stileid.u32;
	s7 =	rddreg [dreg:$0x2]  }
0x3: {  	s28 =	simm.s32 $0x8080;
	s4 =	sand.u32 $0x1, s2;
	s3 =	sshll.u32 s0, $0x1  }
0x4: {  	s29 =	simm.s32 $0x8880;
	s30 =	simm.s32 $0x9080;
	s6 =	sor.u32 s4, s3  }
0x5: {  	s31 =	simm.s32 $0x9880;
	s2 =	rddreg [dreg:$0x1];
	s5 =	smul.u32 $0x320, s6  }
0x6: {  	s3 =	simm.s32 $0x0;
	s4 =	ssub.s32 $0x2, s4;
	s6 =	smul.u32 $0x6400, s6  }
0x7: {  	s7 =	sadd.s32 $0xA00, s7;
	[smem:$0x7FF] =	sst s3;
	s0 =	sshrl.u32 s4, $0x1  }
0x8: {  	_ =	strace $0x80000047;
	s8 =	sshrl.u32 s5, $0x3;
	s6 =	sadd.s32 s7, s6  }
0x9: {  	s11 =	sadd.s32 $0x50, s5;
	s9 =	sadd.s32 $0xA0, s5;
	s18 =	sadd.s32 $0xF0, s5  }
0xa: {  	s20 =	sadd.s32 $0x140, s5;
	s26 =	sadd.s32 $0x190, s5;
	s10 =	sadd.s32 $0x1E0, s5  }
0xb: {  	s8 =	sadd.s32 s2, s8;
	[dreg:$0x5] =	wrdreg s6;
	s12 =	sshrl.u32 s11, $0x3  }
0xc: {  	s14 =	sshrl.u32 s9, $0x3;
	s16 =	sshll.u32 s9, $0x5;
	s19 =	sshrl.u32 s18, $0x3  }
0xd: {  	s22 =	sshrl.u32 s20, $0x3;
	s24 =	sshll.u32 s20, $0x5;
	s9 =	ssub.s32 s4, s0  }
0xe: {  	s20 =	sadd.s32 $0x280, s5;
	[dreg:$0x4] =	wrdreg s8;
	s6 =	sadd.s32 s2, s12  }
0xf: {  	s8 =	sshll.u32 s11, $0x5;
	s15 =	sadd.s32 s2, s14;
	s17 =	sadd.s32 s7, s16  }
0x10: {  	s23 =	sadd.s32 s2, s22;
	s25 =	sadd.s32 s7, s24;
	[dreg:$0x6] =	wrdreg s6  }
0x11: {  	s11 =	sshrl.u32 s26, $0x3;
	s22 =	sshrl.u32 s20, $0x3;
	[dreg:$0x8] =	wrdreg s15  }
0x12: {  	s24 =	sshll.u32 s20, $0x5;
	s20 =	simm.s32 $0x1;
	[dreg:$0x9] =	wrdreg s17  }
0x13: {  	s13 =	sadd.s32 s7, s8;
	s6 =	sadd.s32 s2, s19;
	[dreg:$0xc] =	wrdreg s23  }
0x14: {  	s8 =	sshll.u32 s18, $0x5;
	[dreg:$0xd] =	wrdreg s25;
	s15 =	sshll.u32 s10, $0x5  }
0x15: {  	s17 =	sadd.s32 $0x230, s5;
	s23 =	sadd.s32 s2, s22;
	[dreg:$0x7] =	wrdreg s13  }
0x16: {  	s5 =	sadd.s32 $0x2D0, s5;
	s22 =	simm.s32 $0x5880;
	[dreg:$0xa] =	wrdreg s6  }
0x17: {  	s21 =	sadd.s32 s7, s8;
	s6 =	sadd.s32 s2, s11;
	s8 =	sshll.u32 s26, $0x5  }
0x18: {  	s13 =	sshrl.u32 s10, $0x3;
	s16 =	sadd.s32 s7, s15;
	s18 =	sshrl.u32 s17, $0x3  }
0x19: {  	s19 =	sshll.u32 s17, $0x5;
	[dreg:$0x14] =	wrdreg s23;
	s25 =	sshrl.u32 s5, $0x3  }
0x1a: {  	s26 =	sshll.u32 s5, $0x5;
	s5 =	sadd.s32 s7, s24;
	s10 =	simm.s32 $0x80  }
0x1b: {  	s11 =	simm.s32 $0x880;
	s15 =	simm.s32 $0x2880;
	s17 =	simm.s32 $0x3880  }
0x1c: {  	s23 =	simm.s32 $0x6080;
	s24 =	simm.s32 $0x6880;
	[dreg:$0xb] =	wrdreg s21  }
0x1d: {  	[dreg:$0xe] =	wrdreg s6;
	s12 =	sadd.s32 s7, s8;
	s14 =	sadd.s32 s2, s13  }
0x1e: {  	[dreg:$0x11] =	wrdreg s16;
	s4 =	sadd.s32 s2, s18;
	s21 =	sadd.s32 s7, s19  }
0x1f: {  	s6 =	sadd.s32 s2, s25;
	s7 =	sadd.s32 s7, s26;
	s8 =	smax.u32 s9, $0x1  }
0x20: {  	s9 =	simm.s32 $0x3;
	s13 =	simm.s32 $0x1880;
	[dreg:$0xf] =	wrdreg s12  }
0x21: {  	s16 =	simm.s32 $0x3080;
	s18 =	simm.s32 $0x4080;
	[dreg:$0x10] =	wrdreg s14  }
0x22: {  	v2 =	vlaneseq.u32;
	s19 =	simm.s32 $0x4880;
	s25 =	simm.s32 $0x7080;
	[dreg:$0x12] =	wrdreg s4  }
0x23: {  	vm0 =	vmmov $0xffff;
	v1 =	vshrl.u32 v2, $0x3;
	s26 =	simm.s32 $0x7880;
	s2 =	simm.s32 $0x2;
	[dreg:$0x13] =	wrdreg s21  }
0x24: {  	v0 =	vand.u32 $0x7, v2;
	v2 =	vor.u32 $0x8, v2;
	v1 =	vmul.u32 $0x8, v1;
	s12 =	simm.s32 $0x1080;
	s14 =	simm.s32 $0x2080;
	s21 =	simm.s32 $0x5080  }
.LBB2_1:
0x25: {  	s0 =	rddreg [dreg:$0x4]  }
0x26: {  	[tilespmem:s3], [sflag:$0x3] =	stream.linear.gather [hbm4b:s0+s3], $0x50, $0x38;
	[tilespmem:$0xA080] =	vst v63  }
0x27: {  	_ =	swait.ge [sflag:s9], $0x50  }
0x28: {  	[sflag:s9] =	ssyncset.done $0x0  }
0x29: {  	[sflag:s9] =	ssyncadd.s32 $0xFFFFFFB0  }
0x2a: {  	v3 =	vld [tilespmem:$0x0];
	_ =	sdelay $0x4  }
0x2b: {  	v4 =	vshll.u32 v3, $0x1  }
0x2c: {  	v3 =	vand.u32 $0x7, v3;
	v4 =	vand.u32 $0xFFFFFFF0, v4  }
0x2d: {  	v3 =	vor.u32 v3, v4  }
0x2e: {  	v4 =	vperm.xlane v3, v0;
	_ =	sdelay $0x1  }
0x2f: {  	v3 =	vperm.xlane v3, v2;
	v4 =	vadd.s32 v1, v4;
	_ =	sdelay $0x1  }
0x30: {  	v3 =	vadd.s32 v1, v3;
	_ =	sdelay $0x2  }
0x31: {  	[tilespmem:s10], [sflag:$0x1] =	stream.indirect_vreg.gather [hbm4b:s1+s3], $0x80, v4, vm0, $0xb8;
	[tilespmem:$0xA080] =	vst v63  }
0x32: {  	_ = 	snop  }
0x33: {  	[tilespmem:s11], [sflag:$0x1] =	stream.indirect_vreg.gather [hbm4b:s1+s3], $0x80, v3, vm0, $0xb8;
	[tilespmem:$0xA080] =	vst v63  }
0x34: {  	v3 =	vld [tilespmem:$0x10];
	_ =	sdelay $0x4  }
0x35: {  	v15 =	vshll.u32 v3, $0x1  }
0x36: {  	v3 =	vand.u32 $0x7, v3;
	v4 =	vand.u32 $0xFFFFFFF0, v15  }
0x37: {  	v3 =	vor.u32 v3, v4  }
0x38: {  	v4 =	vperm.xlane v3, v0;
	_ =	sdelay $0x1  }
0x39: {  	v3 =	vperm.xlane v3, v2;
	v4 =	vadd.s32 v1, v4;
	_ =	sdelay $0x1  }
0x3a: {  	v3 =	vadd.s32 v1, v3;
	_ =	sdelay $0x2  }
0x3b: {  	[tilespmem:s12], [sflag:$0x1] =	stream.indirect_vreg.gather [hbm4b:s1+s3], $0x80, v4, vm0, $0xb8;
	[tilespmem:$0xA080] =	vst v63  }
0x3c: {  	_ = 	snop  }
0x3d: {  	[tilespmem:s13], [sflag:$0x1] =	stream.indirect_vreg.gather [hbm4b:s1+s3], $0x80, v3, vm0, $0xb8;
	[tilespmem:$0xA080] =	vst v63  }
0x3e: {  	v3 =	vld [tilespmem:$0x20];
	_ =	sdelay $0x4  }
0x3f: {  	v16 =	vshll.u32 v3, $0x1  }
0x40: {  	v3 =	vand.u32 $0x7, v3;
	v4 =	vand.u32 $0xFFFFFFF0, v16  }
0x41: {  	v3 =	vor.u32 v3, v4  }
0x42: {  	v4 =	vperm.xlane v3, v0;
	_ =	sdelay $0x1  }
0x43: {  	v3 =	vperm.xlane v3, v2;
	v4 =	vadd.s32 v1, v4;
	_ =	sdelay $0x1  }
0x44: {  	v3 =	vadd.s32 v1, v3;
	_ =	sdelay $0x2  }
0x45: {  	[tilespmem:s14], [sflag:$0x1] =	stream.indirect_vreg.gather [hbm4b:s1+s3], $0x80, v4, vm0, $0xb8;
	[tilespmem:$0xA080] =	vst v63  }
0x46: {  	_ = 	snop  }
0x47: {  	[tilespmem:s15], [sflag:$0x1] =	stream.indirect_vreg.gather [hbm4b:s1+s3], $0x80, v3, vm0, $0xb8;
	[tilespmem:$0xA080] =	vst v63  }
0x48: {  	v3 =	vld [tilespmem:$0x30];
	_ =	sdelay $0x4  }
0x49: {  	v17 =	vshll.u32 v3, $0x1  }
0x4a: {  	v3 =	vand.u32 $0x7, v3;
	v4 =	vand.u32 $0xFFFFFFF0, v17  }
0x4b: {  	v3 =	vor.u32 v3, v4  }
0x4c: {  	v4 =	vperm.xlane v3, v0;
	_ =	sdelay $0x1  }
0x4d: {  	v3 =	vperm.xlane v3, v2;
	v4 =	vadd.s32 v1, v4;
	_ =	sdelay $0x1  }
0x4e: {  	v3 =	vadd.s32 v1, v3;
	_ =	sdelay $0x2  }
0x4f: {  	[tilespmem:s16], [sflag:$0x1] =	stream.indirect_vreg.gather [hbm4b:s1+s3], $0x80, v4, vm0, $0xb8;
	[tilespmem:$0xA080] =	vst v63  }
0x50: {  	_ = 	snop  }
0x51: {  	[tilespmem:s17], [sflag:$0x1] =	stream.indirect_vreg.gather [hbm4b:s1+s3], $0x80, v3, vm0, $0xb8;
	[tilespmem:$0xA080] =	vst v63  }
0x52: {  	v3 =	vld [tilespmem:$0x40];
	_ =	sdelay $0x4  }
0x53: {  	v18 =	vshll.u32 v3, $0x1  }
0x54: {  	v3 =	vand.u32 $0x7, v3;
	v4 =	vand.u32 $0xFFFFFFF0, v18  }
0x55: {  	v3 =	vor.u32 v3, v4  }
0x56: {  	v4 =	vperm.xlane v3, v0;
	_ =	sdelay $0x1  }
0x57: {  	v3 =	vperm.xlane v3, v2;
	v4 =	vadd.s32 v1, v4;
	_ =	sdelay $0x1  }
0x58: {  	v3 =	vadd.s32 v1, v3;
	_ =	sdelay $0x2  }
0x59: {  	[tilespmem:s18], [sflag:$0x1] =	stream.indirect_vreg.gather [hbm4b:s1+s3], $0x80, v4, vm0, $0xb8;
	[tilespmem:$0xA080] =	vst v63  }
0x5a: {  	_ = 	snop  }
0x5b: {  	[tilespmem:s19], [sflag:$0x1] =	stream.indirect_vreg.gather [hbm4b:s1+s3], $0x80, v3, vm0, $0xb8;
	[tilespmem:$0xA080] =	vst v63  }
0x5c: {  	_ =	swait.ge [sflag:s20], $0x5000  }
0x5d: {  	[sflag:s20] =	ssyncset.done $0x0  }
0x5e: {  	s0 =	rddreg [dreg:$0x5];
	[sflag:s20] =	ssyncadd.s32 $0xFFFFB000  }
0x5f: {  	[hbm4b:s0+s3] =	stream.linear.scatter [tilespmem:s10], [sflag:$0x2], $0x5000, $0x38;
	[tilespmem:$0xA080] =	vst v63  }
0x60: {  	s4 =	rddreg [dreg:$0x6]  }
0x61: {  	[tilespmem:s3], [sflag:$0x3] =	stream.linear.gather [hbm4b:s4+s3], $0x50, $0x38;
	[tilespmem:$0xA080] =	vst v63  }
0x62: {  	_ =	swait.ge [sflag:s9], $0x50  }
0x63: {  	[sflag:s9] =	ssyncset.done $0x0  }
0x64: {  	[sflag:s9] =	ssyncadd.s32 $0xFFFFFFB0  }
0x65: {  	v3 =	vld [tilespmem:$0x0];
	_ =	sdelay $0x4  }
0x66: {  	v19 =	vshll.u32 v3, $0x1  }
0x67: {  	v3 =	vand.u32 $0x7, v3;
	v4 =	vand.u32 $0xFFFFFFF0, v19  }
0x68: {  	v3 =	vor.u32 v3, v4  }
0x69: {  	v4 =	vperm.xlane v3, v0;
	_ =	sdelay $0x1  }
0x6a: {  	v3 =	vperm.xlane v3, v2;
	v4 =	vadd.s32 v1, v4;
	_ =	sdelay $0x1  }
0x6b: {  	v3 =	vadd.s32 v1, v3;
	_ =	sdelay $0x2  }
0x6c: {  	[tilespmem:s21], [sflag:$0x1] =	stream.indirect_vreg.gather [hbm4b:s1+s3], $0x80, v4, vm0, $0xb8;
	[tilespmem:$0xA080] =	vst v63  }
0x6d: {  	_ = 	snop  }
0x6e: {  	[tilespmem:s22], [sflag:$0x1] =	stream.indirect_vreg.gather [hbm4b:s1+s3], $0x80, v3, vm0, $0xb8;
	[tilespmem:$0xA080] =	vst v63  }
0x6f: {  	v3 =	vld [tilespmem:$0x10];
	_ =	sdelay $0x4  }
0x70: {  	v20 =	vshll.u32 v3, $0x1  }
0x71: {  	v3 =	vand.u32 $0x7, v3;
	v4 =	vand.u32 $0xFFFFFFF0, v20  }
0x72: {  	v3 =	vor.u32 v3, v4  }
0x73: {  	v4 =	vperm.xlane v3, v0;
	_ =	sdelay $0x1  }
0x74: {  	v3 =	vperm.xlane v3, v2;
	v4 =	vadd.s32 v1, v4;
	_ =	sdelay $0x1  }
0x75: {  	v3 =	vadd.s32 v1, v3;
	_ =	sdelay $0x2  }
0x76: {  	[tilespmem:s23], [sflag:$0x1] =	stream.indirect_vreg.gather [hbm4b:s1+s3], $0x80, v4, vm0, $0xb8;
	[tilespmem:$0xA080] =	vst v63  }
0x77: {  	_ = 	snop  }
0x78: {  	[tilespmem:s24], [sflag:$0x1] =	stream.indirect_vreg.gather [hbm4b:s1+s3], $0x80, v3, vm0, $0xb8;
	[tilespmem:$0xA080] =	vst v63  }
0x79: {  	v3 =	vld [tilespmem:$0x20];
	_ =	sdelay $0x4  }
0x7a: {  	v21 =	vshll.u32 v3, $0x1  }
0x7b: {  	v3 =	vand.u32 $0x7, v3;
	v4 =	vand.u32 $0xFFFFFFF0, v21  }
0x7c: {  	v3 =	vor.u32 v3, v4  }
0x7d: {  	v4 =	vperm.xlane v3, v0;
	_ =	sdelay $0x1  }
0x7e: {  	v3 =	vperm.xlane v3, v2;
	v4 =	vadd.s32 v1, v4;
	_ =	sdelay $0x1  }
0x7f: {  	v3 =	vadd.s32 v1, v3;
	_ =	sdelay $0x2  }
0x80: {  	[tilespmem:s25], [sflag:$0x1] =	stream.indirect_vreg.gather [hbm4b:s1+s3], $0x80, v4, vm0, $0xb8;
	[tilespmem:$0xA080] =	vst v63  }
0x81: {  	_ = 	snop  }
0x82: {  	[tilespmem:s26], [sflag:$0x1] =	stream.indirect_vreg.gather [hbm4b:s1+s3], $0x80, v3, vm0, $0xb8;
	[tilespmem:$0xA080] =	vst v63  }
0x83: {  	v3 =	vld [tilespmem:$0x30];
	_ =	sdelay $0x4  }
0x84: {  	v22 =	vshll.u32 v3, $0x1  }
0x85: {  	v3 =	vand.u32 $0x7, v3;
	v4 =	vand.u32 $0xFFFFFFF0, v22  }
0x86: {  	v3 =	vor.u32 v3, v4  }
0x87: {  	v4 =	vperm.xlane v3, v0;
	_ =	sdelay $0x1  }
0x88: {  	v3 =	vperm.xlane v3, v2;
	v4 =	vadd.s32 v1, v4;
	_ =	sdelay $0x1  }
0x89: {  	v3 =	vadd.s32 v1, v3;
	_ =	sdelay $0x2  }
0x8a: {  	[tilespmem:s28], [sflag:$0x1] =	stream.indirect_vreg.gather [hbm4b:s1+s3], $0x80, v4, vm0, $0xb8;
	[tilespmem:$0xA080] =	vst v63  }
0x8b: {  	_ = 	snop  }
0x8c: {  	[tilespmem:s29], [sflag:$0x1] =	stream.indirect_vreg.gather [hbm4b:s1+s3], $0x80, v3, vm0, $0xb8;
	[tilespmem:$0xA080] =	vst v63  }
0x8d: {  	v3 =	vld [tilespmem:$0x40];
	_ =	sdelay $0x4  }
0x8e: {  	v23 =	vshll.u32 v3, $0x1  }
0x8f: {  	v3 =	vand.u32 $0x7, v3;
	v4 =	vand.u32 $0xFFFFFFF0, v23  }
0x90: {  	v3 =	vor.u32 v3, v4  }
0x91: {  	v4 =	vperm.xlane v3, v0;
	_ =	sdelay $0x1  }
0x92: {  	v3 =	vperm.xlane v3, v2;
	v4 =	vadd.s32 v1, v4;
	_ =	sdelay $0x1  }
0x93: {  	v3 =	vadd.s32 v1, v3;
	_ =	sdelay $0x2  }
0x94: {  	[tilespmem:s30], [sflag:$0x1] =	stream.indirect_vreg.gather [hbm4b:s1+s3], $0x80, v4, vm0, $0xb8;
	[tilespmem:$0xA080] =	vst v63  }
0x95: {  	_ = 	snop  }
0x96: {  	[tilespmem:s31], [sflag:$0x1] =	stream.indirect_vreg.gather [hbm4b:s1+s3], $0x80, v3, vm0, $0xb8;
	[tilespmem:$0xA080] =	vst v63  }
0x97: {  	_ =	swait.ge [sflag:s20], $0x5000  }
0x98: {  	[sflag:s20] =	ssyncset.done $0x0  }
0x99: {  	s0 =	rddreg [dreg:$0x7];
	[sflag:s20] =	ssyncadd.s32 $0xFFFFB000  }
0x9a: {  	[hbm4b:s0+s3] =	stream.linear.scatter [tilespmem:s21], [sflag:$0x2], $0x5000, $0x38;
	[tilespmem:$0xA080] =	vst v63  }
0x9b: {  	s4 =	rddreg [dreg:$0x8]  }
0x9c: {  	[tilespmem:s3], [sflag:$0x3] =	stream.linear.gather [hbm4b:s4+s3], $0x50, $0x38;
	[tilespmem:$0xA080] =	vst v63  }
0x9d: {  	_ =	swait.ge [sflag:s9], $0x50  }
0x9e: {  	[sflag:s9] =	ssyncset.done $0x0  }
0x9f: {  	[sflag:s9] =	ssyncadd.s32 $0xFFFFFFB0  }
0xa0: {  	_ =	swait.ge [sflag:s2], $0x5000  }
0xa1: {  	[sflag:s2] =	ssyncset.done $0x0  }
0xa2: {  	[sflag:s2] =	ssyncadd.s32 $0xFFFFB000  }
0xa3: {  	v3 =	vld [tilespmem:$0x0];
	_ =	sdelay $0x4  }
0xa4: {  	v24 =	vshll.u32 v3, $0x1  }
0xa5: {  	v3 =	vand.u32 $0x7, v3;
	v4 =	vand.u32 $0xFFFFFFF0, v24  }
0xa6: {  	v3 =	vor.u32 v3, v4  }
0xa7: {  	v4 =	vperm.xlane v3, v0;
	_ =	sdelay $0x1  }
0xa8: {  	v3 =	vperm.xlane v3, v2;
	v4 =	vadd.s32 v1, v4;
	_ =	sdelay $0x1  }
0xa9: {  	v3 =	vadd.s32 v1, v3;
	_ =	sdelay $0x2  }
0xaa: {  	[tilespmem:s10], [sflag:$0x1] =	stream.indirect_vreg.gather [hbm4b:s1+s3], $0x80, v4, vm0, $0xb8;
	[tilespmem:$0xA080] =	vst v63  }
0xab: {  	_ = 	snop  }
0xac: {  	[tilespmem:s11], [sflag:$0x1] =	stream.indirect_vreg.gather [hbm4b:s1+s3], $0x80, v3, vm0, $0xb8;
	[tilespmem:$0xA080] =	vst v63  }
0xad: {  	v3 =	vld [tilespmem:$0x10];
	_ =	sdelay $0x4  }
0xae: {  	v25 =	vshll.u32 v3, $0x1  }
0xaf: {  	v3 =	vand.u32 $0x7, v3;
	v4 =	vand.u32 $0xFFFFFFF0, v25  }
0xb0: {  	v3 =	vor.u32 v3, v4  }
0xb1: {  	v4 =	vperm.xlane v3, v0;
	_ =	sdelay $0x1  }
0xb2: {  	v3 =	vperm.xlane v3, v2;
	v4 =	vadd.s32 v1, v4;
	_ =	sdelay $0x1  }
0xb3: {  	v3 =	vadd.s32 v1, v3;
	_ =	sdelay $0x2  }
0xb4: {  	[tilespmem:s12], [sflag:$0x1] =	stream.indirect_vreg.gather [hbm4b:s1+s3], $0x80, v4, vm0, $0xb8;
	[tilespmem:$0xA080] =	vst v63  }
0xb5: {  	_ = 	snop  }
0xb6: {  	[tilespmem:s13], [sflag:$0x1] =	stream.indirect_vreg.gather [hbm4b:s1+s3], $0x80, v3, vm0, $0xb8;
	[tilespmem:$0xA080] =	vst v63  }
0xb7: {  	v3 =	vld [tilespmem:$0x20];
	_ =	sdelay $0x4  }
0xb8: {  	v26 =	vshll.u32 v3, $0x1  }
0xb9: {  	v3 =	vand.u32 $0x7, v3;
	v4 =	vand.u32 $0xFFFFFFF0, v26  }
0xba: {  	v3 =	vor.u32 v3, v4  }
0xbb: {  	v4 =	vperm.xlane v3, v0;
	_ =	sdelay $0x1  }
0xbc: {  	v3 =	vperm.xlane v3, v2;
	v4 =	vadd.s32 v1, v4;
	_ =	sdelay $0x1  }
0xbd: {  	v3 =	vadd.s32 v1, v3;
	_ =	sdelay $0x2  }
0xbe: {  	[tilespmem:s14], [sflag:$0x1] =	stream.indirect_vreg.gather [hbm4b:s1+s3], $0x80, v4, vm0, $0xb8;
	[tilespmem:$0xA080] =	vst v63  }
0xbf: {  	_ = 	snop  }
0xc0: {  	[tilespmem:s15], [sflag:$0x1] =	stream.indirect_vreg.gather [hbm4b:s1+s3], $0x80, v3, vm0, $0xb8;
	[tilespmem:$0xA080] =	vst v63  }
0xc1: {  	v3 =	vld [tilespmem:$0x30];
	_ =	sdelay $0x4  }
0xc2: {  	v27 =	vshll.u32 v3, $0x1  }
0xc3: {  	v3 =	vand.u32 $0x7, v3;
	v4 =	vand.u32 $0xFFFFFFF0, v27  }
0xc4: {  	v3 =	vor.u32 v3, v4  }
0xc5: {  	v4 =	vperm.xlane v3, v0;
	_ =	sdelay $0x1  }
0xc6: {  	v3 =	vperm.xlane v3, v2;
	v4 =	vadd.s32 v1, v4;
	_ =	sdelay $0x1  }
0xc7: {  	v3 =	vadd.s32 v1, v3;
	_ =	sdelay $0x2  }
0xc8: {  	[tilespmem:s16], [sflag:$0x1] =	stream.indirect_vreg.gather [hbm4b:s1+s3], $0x80, v4, vm0, $0xb8;
	[tilespmem:$0xA080] =	vst v63  }
0xc9: {  	_ = 	snop  }
0xca: {  	[tilespmem:s17], [sflag:$0x1] =	stream.indirect_vreg.gather [hbm4b:s1+s3], $0x80, v3, vm0, $0xb8;
	[tilespmem:$0xA080] =	vst v63  }
0xcb: {  	v3 =	vld [tilespmem:$0x40];
	_ =	sdelay $0x4  }
0xcc: {  	v28 =	vshll.u32 v3, $0x1  }
0xcd: {  	v3 =	vand.u32 $0x7, v3;
	v4 =	vand.u32 $0xFFFFFFF0, v28  }
0xce: {  	v3 =	vor.u32 v3, v4  }
0xcf: {  	v4 =	vperm.xlane v3, v0;
	_ =	sdelay $0x1  }
0xd0: {  	v3 =	vperm.xlane v3, v2;
	v4 =	vadd.s32 v1, v4;
	_ =	sdelay $0x1  }
0xd1: {  	v3 =	vadd.s32 v1, v3;
	_ =	sdelay $0x2  }
0xd2: {  	[tilespmem:s18], [sflag:$0x1] =	stream.indirect_vreg.gather [hbm4b:s1+s3], $0x80, v4, vm0, $0xb8;
	[tilespmem:$0xA080] =	vst v63  }
0xd3: {  	_ = 	snop  }
0xd4: {  	[tilespmem:s19], [sflag:$0x1] =	stream.indirect_vreg.gather [hbm4b:s1+s3], $0x80, v3, vm0, $0xb8;
	[tilespmem:$0xA080] =	vst v63  }
0xd5: {  	_ =	swait.ge [sflag:s20], $0x5000  }
0xd6: {  	[sflag:s20] =	ssyncset.done $0x0  }
0xd7: {  	s0 =	rddreg [dreg:$0x9];
	[sflag:s20] =	ssyncadd.s32 $0xFFFFB000  }
0xd8: {  	[hbm4b:s0+s3] =	stream.linear.scatter [tilespmem:s10], [sflag:$0x2], $0x5000, $0x38;
	[tilespmem:$0xA080] =	vst v63  }
0xd9: {  	s4 =	rddreg [dreg:$0xa]  }
0xda: {  	[tilespmem:s3], [sflag:$0x3] =	stream.linear.gather [hbm4b:s4+s3], $0x50, $0x38;
	[tilespmem:$0xA080] =	vst v63  }
0xdb: {  	_ =	swait.ge [sflag:s9], $0x50  }
0xdc: {  	[sflag:s9] =	ssyncset.done $0x0  }
0xdd: {  	[sflag:s9] =	ssyncadd.s32 $0xFFFFFFB0  }
0xde: {  	_ =	swait.ge [sflag:s2], $0x5000  }
0xdf: {  	[sflag:s2] =	ssyncset.done $0x0  }
0xe0: {  	[sflag:s2] =	ssyncadd.s32 $0xFFFFB000  }
0xe1: {  	v3 =	vld [tilespmem:$0x0];
	_ =	sdelay $0x4  }
0xe2: {  	v29 =	vshll.u32 v3, $0x1  }
0xe3: {  	v3 =	vand.u32 $0x7, v3;
	v4 =	vand.u32 $0xFFFFFFF0, v29  }
0xe4: {  	v3 =	vor.u32 v3, v4  }
0xe5: {  	v4 =	vperm.xlane v3, v0;
	_ =	sdelay $0x1  }
0xe6: {  	v3 =	vperm.xlane v3, v2;
	v4 =	vadd.s32 v1, v4;
	_ =	sdelay $0x1  }
0xe7: {  	v3 =	vadd.s32 v1, v3;
	_ =	sdelay $0x2  }
0xe8: {  	[tilespmem:s21], [sflag:$0x1] =	stream.indirect_vreg.gather [hbm4b:s1+s3], $0x80, v4, vm0, $0xb8;
	[tilespmem:$0xA080] =	vst v63  }
0xe9: {  	_ = 	snop  }
0xea: {  	[tilespmem:s22], [sflag:$0x1] =	stream.indirect_vreg.gather [hbm4b:s1+s3], $0x80, v3, vm0, $0xb8;
	[tilespmem:$0xA080] =	vst v63  }
0xeb: {  	v3 =	vld [tilespmem:$0x10];
	_ =	sdelay $0x4  }
0xec: {  	v30 =	vshll.u32 v3, $0x1  }
0xed: {  	v3 =	vand.u32 $0x7, v3;
	v4 =	vand.u32 $0xFFFFFFF0, v30  }
0xee: {  	v3 =	vor.u32 v3, v4  }
0xef: {  	v4 =	vperm.xlane v3, v0;
	_ =	sdelay $0x1  }
0xf0: {  	v3 =	vperm.xlane v3, v2;
	v4 =	vadd.s32 v1, v4;
	_ =	sdelay $0x1  }
0xf1: {  	v3 =	vadd.s32 v1, v3;
	_ =	sdelay $0x2  }
0xf2: {  	[tilespmem:s23], [sflag:$0x1] =	stream.indirect_vreg.gather [hbm4b:s1+s3], $0x80, v4, vm0, $0xb8;
	[tilespmem:$0xA080] =	vst v63  }
0xf3: {  	_ = 	snop  }
0xf4: {  	[tilespmem:s24], [sflag:$0x1] =	stream.indirect_vreg.gather [hbm4b:s1+s3], $0x80, v3, vm0, $0xb8;
	[tilespmem:$0xA080] =	vst v63  }
0xf5: {  	v3 =	vld [tilespmem:$0x20];
	_ =	sdelay $0x4  }
0xf6: {  	v31 =	vshll.u32 v3, $0x1  }
0xf7: {  	v3 =	vand.u32 $0x7, v3;
	v4 =	vand.u32 $0xFFFFFFF0, v31  }
0xf8: {  	v3 =	vor.u32 v3, v4  }
0xf9: {  	v4 =	vperm.xlane v3, v0;
	_ =	sdelay $0x1  }
0xfa: {  	v3 =	vperm.xlane v3, v2;
	v4 =	vadd.s32 v1, v4;
	_ =	sdelay $0x1  }
0xfb: {  	v3 =	vadd.s32 v1, v3;
	_ =	sdelay $0x2  }
0xfc: {  	[tilespmem:s25], [sflag:$0x1] =	stream.indirect_vreg.gather [hbm4b:s1+s3], $0x80, v4, vm0, $0xb8;
	[tilespmem:$0xA080] =	vst v63  }
0xfd: {  	_ = 	snop  }
0xfe: {  	[tilespmem:s26], [sflag:$0x1] =	stream.indirect_vreg.gather [hbm4b:s1+s3], $0x80, v3, vm0, $0xb8;
	[tilespmem:$0xA080] =	vst v63  }
0xff: {  	v3 =	vld [tilespmem:$0x30];
	_ =	sdelay $0x4  }
0x100: {  	v32 =	vshll.u32 v3, $0x1  }
0x101: {  	v3 =	vand.u32 $0x7, v3;
	v4 =	vand.u32 $0xFFFFFFF0, v32  }
0x102: {  	v3 =	vor.u32 v3, v4  }
0x103: {  	v4 =	vperm.xlane v3, v0;
	_ =	sdelay $0x1  }
0x104: {  	v3 =	vperm.xlane v3, v2;
	v4 =	vadd.s32 v1, v4;
	_ =	sdelay $0x1  }
0x105: {  	v3 =	vadd.s32 v1, v3;
	_ =	sdelay $0x2  }
0x106: {  	[tilespmem:s28], [sflag:$0x1] =	stream.indirect_vreg.gather [hbm4b:s1+s3], $0x80, v4, vm0, $0xb8;
	[tilespmem:$0xA080] =	vst v63  }
0x107: {  	_ = 	snop  }
0x108: {  	[tilespmem:s29], [sflag:$0x1] =	stream.indirect_vreg.gather [hbm4b:s1+s3], $0x80, v3, vm0, $0xb8;
	[tilespmem:$0xA080] =	vst v63  }
0x109: {  	v3 =	vld [tilespmem:$0x40];
	_ =	sdelay $0x4  }
0x10a: {  	v33 =	vshll.u32 v3, $0x1  }
0x10b: {  	v3 =	vand.u32 $0x7, v3;
	v4 =	vand.u32 $0xFFFFFFF0, v33  }
0x10c: {  	v3 =	vor.u32 v3, v4  }
0x10d: {  	v4 =	vperm.xlane v3, v0;
	_ =	sdelay $0x1  }
0x10e: {  	v3 =	vperm.xlane v3, v2;
	v4 =	vadd.s32 v1, v4;
	_ =	sdelay $0x1  }
0x10f: {  	v3 =	vadd.s32 v1, v3;
	_ =	sdelay $0x2  }
0x110: {  	[tilespmem:s30], [sflag:$0x1] =	stream.indirect_vreg.gather [hbm4b:s1+s3], $0x80, v4, vm0, $0xb8;
	[tilespmem:$0xA080] =	vst v63  }
0x111: {  	_ = 	snop  }
0x112: {  	[tilespmem:s31], [sflag:$0x1] =	stream.indirect_vreg.gather [hbm4b:s1+s3], $0x80, v3, vm0, $0xb8;
	[tilespmem:$0xA080] =	vst v63  }
0x113: {  	_ =	swait.ge [sflag:s20], $0x5000  }
0x114: {  	[sflag:s20] =	ssyncset.done $0x0  }
0x115: {  	s0 =	rddreg [dreg:$0xb];
	[sflag:s20] =	ssyncadd.s32 $0xFFFFB000  }
0x116: {  	[hbm4b:s0+s3] =	stream.linear.scatter [tilespmem:s21], [sflag:$0x2], $0x5000, $0x38;
	[tilespmem:$0xA080] =	vst v63  }
0x117: {  	s4 =	rddreg [dreg:$0xc]  }
0x118: {  	[tilespmem:s3], [sflag:$0x3] =	stream.linear.gather [hbm4b:s4+s3], $0x50, $0x38;
	[tilespmem:$0xA080] =	vst v63  }
0x119: {  	_ =	swait.ge [sflag:s9], $0x50  }
0x11a: {  	[sflag:s9] =	ssyncset.done $0x0  }
0x11b: {  	[sflag:s9] =	ssyncadd.s32 $0xFFFFFFB0  }
0x11c: {  	_ =	swait.ge [sflag:s2], $0x5000  }
0x11d: {  	[sflag:s2] =	ssyncset.done $0x0  }
0x11e: {  	[sflag:s2] =	ssyncadd.s32 $0xFFFFB000  }
0x11f: {  	v3 =	vld [tilespmem:$0x0];
	_ =	sdelay $0x4  }
0x120: {  	v34 =	vshll.u32 v3, $0x1  }
0x121: {  	v3 =	vand.u32 $0x7, v3;
	v4 =	vand.u32 $0xFFFFFFF0, v34  }
0x122: {  	v3 =	vor.u32 v3, v4  }
0x123: {  	v4 =	vperm.xlane v3, v0;
	_ =	sdelay $0x1  }
0x124: {  	v3 =	vperm.xlane v3, v2;
	v4 =	vadd.s32 v1, v4;
	_ =	sdelay $0x1  }
0x125: {  	v3 =	vadd.s32 v1, v3;
	_ =	sdelay $0x2  }
0x126: {  	[tilespmem:s10], [sflag:$0x1] =	stream.indirect_vreg.gather [hbm4b:s1+s3], $0x80, v4, vm0, $0xb8;
	[tilespmem:$0xA080] =	vst v63  }
0x127: {  	_ = 	snop  }
0x128: {  	[tilespmem:s11], [sflag:$0x1] =	stream.indirect_vreg.gather [hbm4b:s1+s3], $0x80, v3, vm0, $0xb8;
	[tilespmem:$0xA080] =	vst v63  }
0x129: {  	v3 =	vld [tilespmem:$0x10];
	_ =	sdelay $0x4  }
0x12a: {  	v35 =	vshll.u32 v3, $0x1  }
0x12b: {  	v3 =	vand.u32 $0x7, v3;
	v4 =	vand.u32 $0xFFFFFFF0, v35  }
0x12c: {  	v3 =	vor.u32 v3, v4  }
0x12d: {  	v4 =	vperm.xlane v3, v0;
	_ =	sdelay $0x1  }
0x12e: {  	v3 =	vperm.xlane v3, v2;
	v4 =	vadd.s32 v1, v4;
	_ =	sdelay $0x1  }
0x12f: {  	v3 =	vadd.s32 v1, v3;
	_ =	sdelay $0x2  }
0x130: {  	[tilespmem:s12], [sflag:$0x1] =	stream.indirect_vreg.gather [hbm4b:s1+s3], $0x80, v4, vm0, $0xb8;
	[tilespmem:$0xA080] =	vst v63  }
0x131: {  	_ = 	snop  }
0x132: {  	[tilespmem:s13], [sflag:$0x1] =	stream.indirect_vreg.gather [hbm4b:s1+s3], $0x80, v3, vm0, $0xb8;
	[tilespmem:$0xA080] =	vst v63  }
0x133: {  	v3 =	vld [tilespmem:$0x20];
	_ =	sdelay $0x4  }
0x134: {  	v36 =	vshll.u32 v3, $0x1  }
0x135: {  	v3 =	vand.u32 $0x7, v3;
	v4 =	vand.u32 $0xFFFFFFF0, v36  }
0x136: {  	v3 =	vor.u32 v3, v4  }
0x137: {  	v4 =	vperm.xlane v3, v0;
	_ =	sdelay $0x1  }
0x138: {  	v3 =	vperm.xlane v3, v2;
	v4 =	vadd.s32 v1, v4;
	_ =	sdelay $0x1  }
0x139: {  	v3 =	vadd.s32 v1, v3;
	_ =	sdelay $0x2  }
0x13a: {  	[tilespmem:s14], [sflag:$0x1] =	stream.indirect_vreg.gather [hbm4b:s1+s3], $0x80, v4, vm0, $0xb8;
	[tilespmem:$0xA080] =	vst v63  }
0x13b: {  	_ = 	snop  }
0x13c: {  	[tilespmem:s15], [sflag:$0x1] =	stream.indirect_vreg.gather [hbm4b:s1+s3], $0x80, v3, vm0, $0xb8;
	[tilespmem:$0xA080] =	vst v63  }
0x13d: {  	v3 =	vld [tilespmem:$0x30];
	_ =	sdelay $0x4  }
0x13e: {  	v37 =	vshll.u32 v3, $0x1  }
0x13f: {  	v3 =	vand.u32 $0x7, v3;
	v4 =	vand.u32 $0xFFFFFFF0, v37  }
0x140: {  	v3 =	vor.u32 v3, v4  }
0x141: {  	v4 =	vperm.xlane v3, v0;
	_ =	sdelay $0x1  }
0x142: {  	v3 =	vperm.xlane v3, v2;
	v4 =	vadd.s32 v1, v4;
	_ =	sdelay $0x1  }
0x143: {  	v3 =	vadd.s32 v1, v3;
	_ =	sdelay $0x2  }
0x144: {  	[tilespmem:s16], [sflag:$0x1] =	stream.indirect_vreg.gather [hbm4b:s1+s3], $0x80, v4, vm0, $0xb8;
	[tilespmem:$0xA080] =	vst v63  }
0x145: {  	_ = 	snop  }
0x146: {  	[tilespmem:s17], [sflag:$0x1] =	stream.indirect_vreg.gather [hbm4b:s1+s3], $0x80, v3, vm0, $0xb8;
	[tilespmem:$0xA080] =	vst v63  }
0x147: {  	v3 =	vld [tilespmem:$0x40];
	_ =	sdelay $0x4  }
0x148: {  	v38 =	vshll.u32 v3, $0x1  }
0x149: {  	v3 =	vand.u32 $0x7, v3;
	v4 =	vand.u32 $0xFFFFFFF0, v38  }
0x14a: {  	v3 =	vor.u32 v3, v4  }
0x14b: {  	v4 =	vperm.xlane v3, v0;
	_ =	sdelay $0x1  }
0x14c: {  	v3 =	vperm.xlane v3, v2;
	v4 =	vadd.s32 v1, v4;
	_ =	sdelay $0x1  }
0x14d: {  	v3 =	vadd.s32 v1, v3;
	_ =	sdelay $0x2  }
0x14e: {  	[tilespmem:s18], [sflag:$0x1] =	stream.indirect_vreg.gather [hbm4b:s1+s3], $0x80, v4, vm0, $0xb8;
	[tilespmem:$0xA080] =	vst v63  }
0x14f: {  	_ = 	snop  }
0x150: {  	[tilespmem:s19], [sflag:$0x1] =	stream.indirect_vreg.gather [hbm4b:s1+s3], $0x80, v3, vm0, $0xb8;
	[tilespmem:$0xA080] =	vst v63  }
0x151: {  	_ =	swait.ge [sflag:s20], $0x5000  }
0x152: {  	[sflag:s20] =	ssyncset.done $0x0  }
0x153: {  	s0 =	rddreg [dreg:$0xd];
	[sflag:s20] =	ssyncadd.s32 $0xFFFFB000  }
0x154: {  	[hbm4b:s0+s3] =	stream.linear.scatter [tilespmem:s10], [sflag:$0x2], $0x5000, $0x38;
	[tilespmem:$0xA080] =	vst v63  }
0x155: {  	s4 =	rddreg [dreg:$0xe]  }
0x156: {  	[tilespmem:s3], [sflag:$0x3] =	stream.linear.gather [hbm4b:s4+s3], $0x50, $0x38;
	[tilespmem:$0xA080] =	vst v63  }
0x157: {  	_ =	swait.ge [sflag:s9], $0x50  }
0x158: {  	[sflag:s9] =	ssyncset.done $0x0  }
0x159: {  	[sflag:s9] =	ssyncadd.s32 $0xFFFFFFB0  }
0x15a: {  	_ =	swait.ge [sflag:s2], $0x5000  }
0x15b: {  	[sflag:s2] =	ssyncset.done $0x0  }
0x15c: {  	[sflag:s2] =	ssyncadd.s32 $0xFFFFB000  }
0x15d: {  	v3 =	vld [tilespmem:$0x0];
	_ =	sdelay $0x4  }
0x15e: {  	v39 =	vshll.u32 v3, $0x1  }
0x15f: {  	v3 =	vand.u32 $0x7, v3;
	v4 =	vand.u32 $0xFFFFFFF0, v39  }
0x160: {  	v3 =	vor.u32 v3, v4  }
0x161: {  	v4 =	vperm.xlane v3, v0;
	_ =	sdelay $0x1  }
0x162: {  	v3 =	vperm.xlane v3, v2;
	v4 =	vadd.s32 v1, v4;
	_ =	sdelay $0x1  }
0x163: {  	v3 =	vadd.s32 v1, v3;
	_ =	sdelay $0x2  }
0x164: {  	[tilespmem:s21], [sflag:$0x1] =	stream.indirect_vreg.gather [hbm4b:s1+s3], $0x80, v4, vm0, $0xb8;
	[tilespmem:$0xA080] =	vst v63  }
0x165: {  	_ = 	snop  }
0x166: {  	[tilespmem:s22], [sflag:$0x1] =	stream.indirect_vreg.gather [hbm4b:s1+s3], $0x80, v3, vm0, $0xb8;
	[tilespmem:$0xA080] =	vst v63  }
0x167: {  	v3 =	vld [tilespmem:$0x10];
	_ =	sdelay $0x4  }
0x168: {  	v40 =	vshll.u32 v3, $0x1  }
0x169: {  	v3 =	vand.u32 $0x7, v3;
	v4 =	vand.u32 $0xFFFFFFF0, v40  }
0x16a: {  	v3 =	vor.u32 v3, v4  }
0x16b: {  	v4 =	vperm.xlane v3, v0;
	_ =	sdelay $0x1  }
0x16c: {  	v3 =	vperm.xlane v3, v2;
	v4 =	vadd.s32 v1, v4;
	_ =	sdelay $0x1  }
0x16d: {  	v3 =	vadd.s32 v1, v3;
	_ =	sdelay $0x2  }
0x16e: {  	[tilespmem:s23], [sflag:$0x1] =	stream.indirect_vreg.gather [hbm4b:s1+s3], $0x80, v4, vm0, $0xb8;
	[tilespmem:$0xA080] =	vst v63  }
0x16f: {  	_ = 	snop  }
0x170: {  	[tilespmem:s24], [sflag:$0x1] =	stream.indirect_vreg.gather [hbm4b:s1+s3], $0x80, v3, vm0, $0xb8;
	[tilespmem:$0xA080] =	vst v63  }
0x171: {  	v3 =	vld [tilespmem:$0x20];
	_ =	sdelay $0x4  }
0x172: {  	v41 =	vshll.u32 v3, $0x1  }
0x173: {  	v3 =	vand.u32 $0x7, v3;
	v4 =	vand.u32 $0xFFFFFFF0, v41  }
0x174: {  	v3 =	vor.u32 v3, v4  }
0x175: {  	v4 =	vperm.xlane v3, v0;
	_ =	sdelay $0x1  }
0x176: {  	v3 =	vperm.xlane v3, v2;
	v4 =	vadd.s32 v1, v4;
	_ =	sdelay $0x1  }
0x177: {  	v3 =	vadd.s32 v1, v3;
	_ =	sdelay $0x2  }
0x178: {  	[tilespmem:s25], [sflag:$0x1] =	stream.indirect_vreg.gather [hbm4b:s1+s3], $0x80, v4, vm0, $0xb8;
	[tilespmem:$0xA080] =	vst v63  }
0x179: {  	_ = 	snop  }
0x17a: {  	[tilespmem:s26], [sflag:$0x1] =	stream.indirect_vreg.gather [hbm4b:s1+s3], $0x80, v3, vm0, $0xb8;
	[tilespmem:$0xA080] =	vst v63  }
0x17b: {  	v3 =	vld [tilespmem:$0x30];
	_ =	sdelay $0x4  }
0x17c: {  	v42 =	vshll.u32 v3, $0x1  }
0x17d: {  	v3 =	vand.u32 $0x7, v3;
	v4 =	vand.u32 $0xFFFFFFF0, v42  }
0x17e: {  	v3 =	vor.u32 v3, v4  }
0x17f: {  	v4 =	vperm.xlane v3, v0;
	_ =	sdelay $0x1  }
0x180: {  	v3 =	vperm.xlane v3, v2;
	v4 =	vadd.s32 v1, v4;
	_ =	sdelay $0x1  }
0x181: {  	v3 =	vadd.s32 v1, v3;
	_ =	sdelay $0x2  }
0x182: {  	[tilespmem:s28], [sflag:$0x1] =	stream.indirect_vreg.gather [hbm4b:s1+s3], $0x80, v4, vm0, $0xb8;
	[tilespmem:$0xA080] =	vst v63  }
0x183: {  	_ = 	snop  }
0x184: {  	[tilespmem:s29], [sflag:$0x1] =	stream.indirect_vreg.gather [hbm4b:s1+s3], $0x80, v3, vm0, $0xb8;
	[tilespmem:$0xA080] =	vst v63  }
0x185: {  	v3 =	vld [tilespmem:$0x40];
	_ =	sdelay $0x4  }
0x186: {  	v43 =	vshll.u32 v3, $0x1  }
0x187: {  	v3 =	vand.u32 $0x7, v3;
	v4 =	vand.u32 $0xFFFFFFF0, v43  }
0x188: {  	v3 =	vor.u32 v3, v4  }
0x189: {  	v4 =	vperm.xlane v3, v0;
	_ =	sdelay $0x1  }
0x18a: {  	v3 =	vperm.xlane v3, v2;
	v4 =	vadd.s32 v1, v4;
	_ =	sdelay $0x1  }
0x18b: {  	v3 =	vadd.s32 v1, v3;
	_ =	sdelay $0x2  }
0x18c: {  	[tilespmem:s30], [sflag:$0x1] =	stream.indirect_vreg.gather [hbm4b:s1+s3], $0x80, v4, vm0, $0xb8;
	[tilespmem:$0xA080] =	vst v63  }
0x18d: {  	_ = 	snop  }
0x18e: {  	[tilespmem:s31], [sflag:$0x1] =	stream.indirect_vreg.gather [hbm4b:s1+s3], $0x80, v3, vm0, $0xb8;
	[tilespmem:$0xA080] =	vst v63  }
0x18f: {  	_ =	swait.ge [sflag:s20], $0x5000  }
0x190: {  	[sflag:s20] =	ssyncset.done $0x0  }
0x191: {  	s0 =	rddreg [dreg:$0xf];
	[sflag:s20] =	ssyncadd.s32 $0xFFFFB000  }
0x192: {  	[hbm4b:s0+s3] =	stream.linear.scatter [tilespmem:s21], [sflag:$0x2], $0x5000, $0x38;
	[tilespmem:$0xA080] =	vst v63  }
0x193: {  	s4 =	rddreg [dreg:$0x10]  }
0x194: {  	[tilespmem:s3], [sflag:$0x3] =	stream.linear.gather [hbm4b:s4+s3], $0x50, $0x38;
	[tilespmem:$0xA080] =	vst v63  }
0x195: {  	_ =	swait.ge [sflag:s9], $0x50  }
0x196: {  	[sflag:s9] =	ssyncset.done $0x0  }
0x197: {  	[sflag:s9] =	ssyncadd.s32 $0xFFFFFFB0  }
0x198: {  	_ =	swait.ge [sflag:s2], $0x5000  }
0x199: {  	[sflag:s2] =	ssyncset.done $0x0  }
0x19a: {  	[sflag:s2] =	ssyncadd.s32 $0xFFFFB000  }
0x19b: {  	v3 =	vld [tilespmem:$0x0];
	_ =	sdelay $0x4  }
0x19c: {  	v44 =	vshll.u32 v3, $0x1  }
0x19d: {  	v3 =	vand.u32 $0x7, v3;
	v4 =	vand.u32 $0xFFFFFFF0, v44  }
0x19e: {  	v3 =	vor.u32 v3, v4  }
0x19f: {  	v4 =	vperm.xlane v3, v0;
	_ =	sdelay $0x1  }
0x1a0: {  	v3 =	vperm.xlane v3, v2;
	v4 =	vadd.s32 v1, v4;
	_ =	sdelay $0x1  }
0x1a1: {  	v3 =	vadd.s32 v1, v3;
	_ =	sdelay $0x2  }
0x1a2: {  	[tilespmem:s10], [sflag:$0x1] =	stream.indirect_vreg.gather [hbm4b:s1+s3], $0x80, v4, vm0, $0xb8;
	[tilespmem:$0xA080] =	vst v63  }
0x1a3: {  	_ = 	snop  }
0x1a4: {  	[tilespmem:s11], [sflag:$0x1] =	stream.indirect_vreg.gather [hbm4b:s1+s3], $0x80, v3, vm0, $0xb8;
	[tilespmem:$0xA080] =	vst v63  }
0x1a5: {  	v3 =	vld [tilespmem:$0x10];
	_ =	sdelay $0x4  }
0x1a6: {  	v45 =	vshll.u32 v3, $0x1  }
0x1a7: {  	v3 =	vand.u32 $0x7, v3;
	v4 =	vand.u32 $0xFFFFFFF0, v45  }
0x1a8: {  	v3 =	vor.u32 v3, v4  }
0x1a9: {  	v4 =	vperm.xlane v3, v0;
	_ =	sdelay $0x1  }
0x1aa: {  	v3 =	vperm.xlane v3, v2;
	v4 =	vadd.s32 v1, v4;
	_ =	sdelay $0x1  }
0x1ab: {  	v3 =	vadd.s32 v1, v3;
	_ =	sdelay $0x2  }
0x1ac: {  	[tilespmem:s12], [sflag:$0x1] =	stream.indirect_vreg.gather [hbm4b:s1+s3], $0x80, v4, vm0, $0xb8;
	[tilespmem:$0xA080] =	vst v63  }
0x1ad: {  	_ = 	snop  }
0x1ae: {  	[tilespmem:s13], [sflag:$0x1] =	stream.indirect_vreg.gather [hbm4b:s1+s3], $0x80, v3, vm0, $0xb8;
	[tilespmem:$0xA080] =	vst v63  }
0x1af: {  	v3 =	vld [tilespmem:$0x20];
	_ =	sdelay $0x4  }
0x1b0: {  	v46 =	vshll.u32 v3, $0x1  }
0x1b1: {  	v3 =	vand.u32 $0x7, v3;
	v4 =	vand.u32 $0xFFFFFFF0, v46  }
0x1b2: {  	v3 =	vor.u32 v3, v4  }
0x1b3: {  	v4 =	vperm.xlane v3, v0;
	_ =	sdelay $0x1  }
0x1b4: {  	v3 =	vperm.xlane v3, v2;
	v4 =	vadd.s32 v1, v4;
	_ =	sdelay $0x1  }
0x1b5: {  	v3 =	vadd.s32 v1, v3;
	_ =	sdelay $0x2  }
0x1b6: {  	[tilespmem:s14], [sflag:$0x1] =	stream.indirect_vreg.gather [hbm4b:s1+s3], $0x80, v4, vm0, $0xb8;
	[tilespmem:$0xA080] =	vst v63  }
0x1b7: {  	_ = 	snop  }
0x1b8: {  	[tilespmem:s15], [sflag:$0x1] =	stream.indirect_vreg.gather [hbm4b:s1+s3], $0x80, v3, vm0, $0xb8;
	[tilespmem:$0xA080] =	vst v63  }
0x1b9: {  	v3 =	vld [tilespmem:$0x30];
	_ =	sdelay $0x4  }
0x1ba: {  	v47 =	vshll.u32 v3, $0x1  }
0x1bb: {  	v3 =	vand.u32 $0x7, v3;
	v4 =	vand.u32 $0xFFFFFFF0, v47  }
0x1bc: {  	v3 =	vor.u32 v3, v4  }
0x1bd: {  	v4 =	vperm.xlane v3, v0;
	_ =	sdelay $0x1  }
0x1be: {  	v3 =	vperm.xlane v3, v2;
	v4 =	vadd.s32 v1, v4;
	_ =	sdelay $0x1  }
0x1bf: {  	v3 =	vadd.s32 v1, v3;
	_ =	sdelay $0x2  }
0x1c0: {  	[tilespmem:s16], [sflag:$0x1] =	stream.indirect_vreg.gather [hbm4b:s1+s3], $0x80, v4, vm0, $0xb8;
	[tilespmem:$0xA080] =	vst v63  }
0x1c1: {  	_ = 	snop  }
0x1c2: {  	[tilespmem:s17], [sflag:$0x1] =	stream.indirect_vreg.gather [hbm4b:s1+s3], $0x80, v3, vm0, $0xb8;
	[tilespmem:$0xA080] =	vst v63  }
0x1c3: {  	v3 =	vld [tilespmem:$0x40];
	_ =	sdelay $0x4  }
0x1c4: {  	v48 =	vshll.u32 v3, $0x1  }
0x1c5: {  	v3 =	vand.u32 $0x7, v3;
	v4 =	vand.u32 $0xFFFFFFF0, v48  }
0x1c6: {  	v3 =	vor.u32 v3, v4  }
0x1c7: {  	v4 =	vperm.xlane v3, v0;
	_ =	sdelay $0x1  }
0x1c8: {  	v3 =	vperm.xlane v3, v2;
	v4 =	vadd.s32 v1, v4;
	_ =	sdelay $0x1  }
0x1c9: {  	v3 =	vadd.s32 v1, v3;
	_ =	sdelay $0x2  }
0x1ca: {  	[tilespmem:s18], [sflag:$0x1] =	stream.indirect_vreg.gather [hbm4b:s1+s3], $0x80, v4, vm0, $0xb8;
	[tilespmem:$0xA080] =	vst v63  }
0x1cb: {  	_ = 	snop  }
0x1cc: {  	[tilespmem:s19], [sflag:$0x1] =	stream.indirect_vreg.gather [hbm4b:s1+s3], $0x80, v3, vm0, $0xb8;
	[tilespmem:$0xA080] =	vst v63  }
0x1cd: {  	_ =	swait.ge [sflag:s20], $0x5000  }
0x1ce: {  	[sflag:s20] =	ssyncset.done $0x0  }
0x1cf: {  	s0 =	rddreg [dreg:$0x11];
	[sflag:s20] =	ssyncadd.s32 $0xFFFFB000  }
0x1d0: {  	[hbm4b:s0+s3] =	stream.linear.scatter [tilespmem:s10], [sflag:$0x2], $0x5000, $0x38;
	[tilespmem:$0xA080] =	vst v63  }
0x1d1: {  	s4 =	rddreg [dreg:$0x12]  }
0x1d2: {  	[tilespmem:s3], [sflag:$0x3] =	stream.linear.gather [hbm4b:s4+s3], $0x50, $0x38;
	[tilespmem:$0xA080] =	vst v63  }
0x1d3: {  	_ =	swait.ge [sflag:s9], $0x50  }
0x1d4: {  	[sflag:s9] =	ssyncset.done $0x0  }
0x1d5: {  	[sflag:s9] =	ssyncadd.s32 $0xFFFFFFB0  }
0x1d6: {  	_ =	swait.ge [sflag:s2], $0x5000  }
0x1d7: {  	[sflag:s2] =	ssyncset.done $0x0  }
0x1d8: {  	[sflag:s2] =	ssyncadd.s32 $0xFFFFB000  }
0x1d9: {  	v3 =	vld [tilespmem:$0x0];
	_ =	sdelay $0x4  }
0x1da: {  	v49 =	vshll.u32 v3, $0x1  }
0x1db: {  	v3 =	vand.u32 $0x7, v3;
	v4 =	vand.u32 $0xFFFFFFF0, v49  }
0x1dc: {  	v3 =	vor.u32 v3, v4  }
0x1dd: {  	v4 =	vperm.xlane v3, v0;
	_ =	sdelay $0x1  }
0x1de: {  	v3 =	vperm.xlane v3, v2;
	v4 =	vadd.s32 v1, v4;
	_ =	sdelay $0x1  }
0x1df: {  	v3 =	vadd.s32 v1, v3;
	_ =	sdelay $0x2  }
0x1e0: {  	[tilespmem:s21], [sflag:$0x1] =	stream.indirect_vreg.gather [hbm4b:s1+s3], $0x80, v4, vm0, $0xb8;
	[tilespmem:$0xA080] =	vst v63  }
0x1e1: {  	_ = 	snop  }
0x1e2: {  	[tilespmem:s22], [sflag:$0x1] =	stream.indirect_vreg.gather [hbm4b:s1+s3], $0x80, v3, vm0, $0xb8;
	[tilespmem:$0xA080] =	vst v63  }
0x1e3: {  	v3 =	vld [tilespmem:$0x10];
	_ =	sdelay $0x4  }
0x1e4: {  	v50 =	vshll.u32 v3, $0x1  }
0x1e5: {  	v3 =	vand.u32 $0x7, v3;
	v4 =	vand.u32 $0xFFFFFFF0, v50  }
0x1e6: {  	v3 =	vor.u32 v3, v4  }
0x1e7: {  	v4 =	vperm.xlane v3, v0;
	_ =	sdelay $0x1  }
0x1e8: {  	v3 =	vperm.xlane v3, v2;
	v4 =	vadd.s32 v1, v4;
	_ =	sdelay $0x1  }
0x1e9: {  	v3 =	vadd.s32 v1, v3;
	_ =	sdelay $0x2  }
0x1ea: {  	[tilespmem:s23], [sflag:$0x1] =	stream.indirect_vreg.gather [hbm4b:s1+s3], $0x80, v4, vm0, $0xb8;
	[tilespmem:$0xA080] =	vst v63  }
0x1eb: {  	_ = 	snop  }
0x1ec: {  	[tilespmem:s24], [sflag:$0x1] =	stream.indirect_vreg.gather [hbm4b:s1+s3], $0x80, v3, vm0, $0xb8;
	[tilespmem:$0xA080] =	vst v63  }
0x1ed: {  	v3 =	vld [tilespmem:$0x20];
	_ =	sdelay $0x4  }
0x1ee: {  	v51 =	vshll.u32 v3, $0x1  }
0x1ef: {  	v3 =	vand.u32 $0x7, v3;
	v4 =	vand.u32 $0xFFFFFFF0, v51  }
0x1f0: {  	v3 =	vor.u32 v3, v4  }
0x1f1: {  	v4 =	vperm.xlane v3, v0;
	_ =	sdelay $0x1  }
0x1f2: {  	v3 =	vperm.xlane v3, v2;
	v4 =	vadd.s32 v1, v4;
	_ =	sdelay $0x1  }
0x1f3: {  	v3 =	vadd.s32 v1, v3;
	_ =	sdelay $0x2  }
0x1f4: {  	[tilespmem:s25], [sflag:$0x1] =	stream.indirect_vreg.gather [hbm4b:s1+s3], $0x80, v4, vm0, $0xb8;
	[tilespmem:$0xA080] =	vst v63  }
0x1f5: {  	_ = 	snop  }
0x1f6: {  	[tilespmem:s26], [sflag:$0x1] =	stream.indirect_vreg.gather [hbm4b:s1+s3], $0x80, v3, vm0, $0xb8;
	[tilespmem:$0xA080] =	vst v63  }
0x1f7: {  	v3 =	vld [tilespmem:$0x30];
	_ =	sdelay $0x4  }
0x1f8: {  	v52 =	vshll.u32 v3, $0x1  }
0x1f9: {  	v3 =	vand.u32 $0x7, v3;
	v4 =	vand.u32 $0xFFFFFFF0, v52  }
0x1fa: {  	v3 =	vor.u32 v3, v4  }
0x1fb: {  	v4 =	vperm.xlane v3, v0;
	_ =	sdelay $0x1  }
0x1fc: {  	v3 =	vperm.xlane v3, v2;
	v4 =	vadd.s32 v1, v4;
	_ =	sdelay $0x1  }
0x1fd: {  	v3 =	vadd.s32 v1, v3;
	_ =	sdelay $0x2  }
0x1fe: {  	[tilespmem:s28], [sflag:$0x1] =	stream.indirect_vreg.gather [hbm4b:s1+s3], $0x80, v4, vm0, $0xb8;
	[tilespmem:$0xA080] =	vst v63  }
0x1ff: {  	_ = 	snop  }
0x200: {  	[tilespmem:s29], [sflag:$0x1] =	stream.indirect_vreg.gather [hbm4b:s1+s3], $0x80, v3, vm0, $0xb8;
	[tilespmem:$0xA080] =	vst v63  }
0x201: {  	v3 =	vld [tilespmem:$0x40];
	_ =	sdelay $0x4  }
0x202: {  	v53 =	vshll.u32 v3, $0x1  }
0x203: {  	v3 =	vand.u32 $0x7, v3;
	v4 =	vand.u32 $0xFFFFFFF0, v53  }
0x204: {  	v3 =	vor.u32 v3, v4  }
0x205: {  	v4 =	vperm.xlane v3, v0;
	_ =	sdelay $0x1  }
0x206: {  	v3 =	vperm.xlane v3, v2;
	v4 =	vadd.s32 v1, v4;
	_ =	sdelay $0x1  }
0x207: {  	v3 =	vadd.s32 v1, v3;
	_ =	sdelay $0x2  }
0x208: {  	[tilespmem:s30], [sflag:$0x1] =	stream.indirect_vreg.gather [hbm4b:s1+s3], $0x80, v4, vm0, $0xb8;
	[tilespmem:$0xA080] =	vst v63  }
0x209: {  	_ = 	snop  }
0x20a: {  	[tilespmem:s31], [sflag:$0x1] =	stream.indirect_vreg.gather [hbm4b:s1+s3], $0x80, v3, vm0, $0xb8;
	[tilespmem:$0xA080] =	vst v63  }
0x20b: {  	_ =	swait.ge [sflag:s20], $0x5000  }
0x20c: {  	[sflag:s20] =	ssyncset.done $0x0  }
0x20d: {  	s4 =	rddreg [dreg:$0x13];
	[sflag:s20] =	ssyncadd.s32 $0xFFFFB000  }
0x20e: {  	[hbm4b:s4+s3] =	stream.linear.scatter [tilespmem:s21], [sflag:$0x2], $0x5000, $0x38;
	[tilespmem:$0xA080] =	vst v63  }
0x20f: {  	s4 =	rddreg [dreg:$0x14]  }
0x210: {  	[tilespmem:s3], [sflag:$0x3] =	stream.linear.gather [hbm4b:s4+s3], $0x50, $0x38;
	[tilespmem:$0xA080] =	vst v63  }
0x211: {  	_ =	swait.ge [sflag:s9], $0x50  }
0x212: {  	[sflag:s9] =	ssyncset.done $0x0  }
0x213: {  	[sflag:s9] =	ssyncadd.s32 $0xFFFFFFB0  }
0x214: {  	_ =	swait.ge [sflag:s2], $0x5000  }
0x215: {  	[sflag:s2] =	ssyncset.done $0x0  }
0x216: {  	[sflag:s2] =	ssyncadd.s32 $0xFFFFB000  }
0x217: {  	v3 =	vld [tilespmem:$0x0];
	_ =	sdelay $0x4  }
0x218: {  	v54 =	vshll.u32 v3, $0x1  }
0x219: {  	v3 =	vand.u32 $0x7, v3;
	v4 =	vand.u32 $0xFFFFFFF0, v54  }
0x21a: {  	v3 =	vor.u32 v3, v4  }
0x21b: {  	v4 =	vperm.xlane v3, v0;
	_ =	sdelay $0x1  }
0x21c: {  	v3 =	vperm.xlane v3, v2;
	v4 =	vadd.s32 v1, v4;
	_ =	sdelay $0x1  }
0x21d: {  	v3 =	vadd.s32 v1, v3;
	_ =	sdelay $0x2  }
0x21e: {  	[tilespmem:s10], [sflag:$0x1] =	stream.indirect_vreg.gather [hbm4b:s1+s3], $0x80, v4, vm0, $0xb8;
	[tilespmem:$0xA080] =	vst v63  }
0x21f: {  	_ = 	snop  }
0x220: {  	[tilespmem:s11], [sflag:$0x1] =	stream.indirect_vreg.gather [hbm4b:s1+s3], $0x80, v3, vm0, $0xb8;
	[tilespmem:$0xA080] =	vst v63  }
0x221: {  	v3 =	vld [tilespmem:$0x10];
	_ =	sdelay $0x4  }
0x222: {  	v55 =	vshll.u32 v3, $0x1  }
0x223: {  	v3 =	vand.u32 $0x7, v3;
	v4 =	vand.u32 $0xFFFFFFF0, v55  }
0x224: {  	v3 =	vor.u32 v3, v4  }
0x225: {  	v4 =	vperm.xlane v3, v0;
	_ =	sdelay $0x1  }
0x226: {  	v3 =	vperm.xlane v3, v2;
	v4 =	vadd.s32 v1, v4;
	_ =	sdelay $0x1  }
0x227: {  	v3 =	vadd.s32 v1, v3;
	_ =	sdelay $0x2  }
0x228: {  	[tilespmem:s12], [sflag:$0x1] =	stream.indirect_vreg.gather [hbm4b:s1+s3], $0x80, v4, vm0, $0xb8;
	[tilespmem:$0xA080] =	vst v63  }
0x229: {  	_ = 	snop  }
0x22a: {  	[tilespmem:s13], [sflag:$0x1] =	stream.indirect_vreg.gather [hbm4b:s1+s3], $0x80, v3, vm0, $0xb8;
	[tilespmem:$0xA080] =	vst v63  }
0x22b: {  	v3 =	vld [tilespmem:$0x20];
	_ =	sdelay $0x4  }
0x22c: {  	v56 =	vshll.u32 v3, $0x1  }
0x22d: {  	v3 =	vand.u32 $0x7, v3;
	v4 =	vand.u32 $0xFFFFFFF0, v56  }
0x22e: {  	v3 =	vor.u32 v3, v4  }
0x22f: {  	v4 =	vperm.xlane v3, v0;
	_ =	sdelay $0x1  }
0x230: {  	v3 =	vperm.xlane v3, v2;
	v4 =	vadd.s32 v1, v4;
	_ =	sdelay $0x1  }
0x231: {  	v3 =	vadd.s32 v1, v3;
	_ =	sdelay $0x2  }
0x232: {  	[tilespmem:s14], [sflag:$0x1] =	stream.indirect_vreg.gather [hbm4b:s1+s3], $0x80, v4, vm0, $0xb8;
	[tilespmem:$0xA080] =	vst v63  }
0x233: {  	_ = 	snop  }
0x234: {  	[tilespmem:s15], [sflag:$0x1] =	stream.indirect_vreg.gather [hbm4b:s1+s3], $0x80, v3, vm0, $0xb8;
	[tilespmem:$0xA080] =	vst v63  }
0x235: {  	v3 =	vld [tilespmem:$0x30];
	_ =	sdelay $0x4  }
0x236: {  	v57 =	vshll.u32 v3, $0x1  }
0x237: {  	v3 =	vand.u32 $0x7, v3;
	v4 =	vand.u32 $0xFFFFFFF0, v57  }
0x238: {  	v3 =	vor.u32 v3, v4  }
0x239: {  	v4 =	vperm.xlane v3, v0;
	_ =	sdelay $0x1  }
0x23a: {  	v3 =	vperm.xlane v3, v2;
	v4 =	vadd.s32 v1, v4;
	_ =	sdelay $0x1  }
0x23b: {  	v3 =	vadd.s32 v1, v3;
	_ =	sdelay $0x2  }
0x23c: {  	[tilespmem:s16], [sflag:$0x1] =	stream.indirect_vreg.gather [hbm4b:s1+s3], $0x80, v4, vm0, $0xb8;
	[tilespmem:$0xA080] =	vst v63  }
0x23d: {  	_ = 	snop  }
0x23e: {  	[tilespmem:s17], [sflag:$0x1] =	stream.indirect_vreg.gather [hbm4b:s1+s3], $0x80, v3, vm0, $0xb8;
	[tilespmem:$0xA080] =	vst v63  }
0x23f: {  	v3 =	vld [tilespmem:$0x40];
	_ =	sdelay $0x4  }
0x240: {  	v58 =	vshll.u32 v3, $0x1  }
0x241: {  	v3 =	vand.u32 $0x7, v3;
	v4 =	vand.u32 $0xFFFFFFF0, v58  }
0x242: {  	v3 =	vor.u32 v3, v4  }
0x243: {  	v4 =	vperm.xlane v3, v0;
	_ =	sdelay $0x1  }
0x244: {  	v3 =	vperm.xlane v3, v2;
	v4 =	vadd.s32 v1, v4;
	_ =	sdelay $0x1  }
0x245: {  	v3 =	vadd.s32 v1, v3;
	_ =	sdelay $0x2  }
0x246: {  	[tilespmem:s18], [sflag:$0x1] =	stream.indirect_vreg.gather [hbm4b:s1+s3], $0x80, v4, vm0, $0xb8;
	[tilespmem:$0xA080] =	vst v63  }
0x247: {  	_ = 	snop  }
0x248: {  	[tilespmem:s19], [sflag:$0x1] =	stream.indirect_vreg.gather [hbm4b:s1+s3], $0x80, v3, vm0, $0xb8;
	[tilespmem:$0xA080] =	vst v63  }
0x249: {  	_ =	swait.ge [sflag:s20], $0x5000  }
0x24a: {  	[sflag:s20] =	ssyncset.done $0x0  }
0x24b: {  	[sflag:s20] =	ssyncadd.s32 $0xFFFFB000  }
0x24c: {  	[hbm4b:s5+s3] =	stream.linear.scatter [tilespmem:s10], [sflag:$0x2], $0x5000, $0x38;
	[tilespmem:$0xA080] =	vst v63  }
0x24d: {  	_ = 	snop  }
0x24e: {  	[tilespmem:s3], [sflag:$0x3] =	stream.linear.gather [hbm4b:s6+s3], $0x50, $0x38;
	[tilespmem:$0xA080] =	vst v63  }
0x24f: {  	_ =	swait.ge [sflag:s9], $0x50  }
0x250: {  	[sflag:s9] =	ssyncset.done $0x0  }
0x251: {  	[sflag:s9] =	ssyncadd.s32 $0xFFFFFFB0  }
0x252: {  	_ =	swait.ge [sflag:s2], $0x5000  }
0x253: {  	[sflag:s2] =	ssyncset.done $0x0  }
0x254: {  	[sflag:s2] =	ssyncadd.s32 $0xFFFFB000  }
0x255: {  	v3 =	vld [tilespmem:$0x0];
	_ =	sdelay $0x4  }
0x256: {  	v59 =	vshll.u32 v3, $0x1  }
0x257: {  	v3 =	vand.u32 $0x7, v3;
	v4 =	vand.u32 $0xFFFFFFF0, v59  }
0x258: {  	v3 =	vor.u32 v3, v4  }
0x259: {  	v4 =	vperm.xlane v3, v0;
	_ =	sdelay $0x1  }
0x25a: {  	v3 =	vperm.xlane v3, v2;
	v4 =	vadd.s32 v1, v4;
	_ =	sdelay $0x1  }
0x25b: {  	v3 =	vadd.s32 v1, v3;
	_ =	sdelay $0x2  }
0x25c: {  	[tilespmem:s21], [sflag:$0x1] =	stream.indirect_vreg.gather [hbm4b:s1+s3], $0x80, v4, vm0, $0xb8;
	[tilespmem:$0xA080] =	vst v63  }
0x25d: {  	_ = 	snop  }
0x25e: {  	[tilespmem:s22], [sflag:$0x1] =	stream.indirect_vreg.gather [hbm4b:s1+s3], $0x80, v3, vm0, $0xb8;
	[tilespmem:$0xA080] =	vst v63  }
0x25f: {  	v3 =	vld [tilespmem:$0x10];
	_ =	sdelay $0x4  }
0x260: {  	v60 =	vshll.u32 v3, $0x1  }
0x261: {  	v3 =	vand.u32 $0x7, v3;
	v4 =	vand.u32 $0xFFFFFFF0, v60  }
0x262: {  	v3 =	vor.u32 v3, v4  }
0x263: {  	v4 =	vperm.xlane v3, v0;
	_ =	sdelay $0x1  }
0x264: {  	v3 =	vperm.xlane v3, v2;
	v4 =	vadd.s32 v1, v4;
	_ =	sdelay $0x1  }
0x265: {  	v3 =	vadd.s32 v1, v3;
	_ =	sdelay $0x2  }
0x266: {  	[tilespmem:s23], [sflag:$0x1] =	stream.indirect_vreg.gather [hbm4b:s1+s3], $0x80, v4, vm0, $0xb8;
	[tilespmem:$0xA080] =	vst v63  }
0x267: {  	_ = 	snop  }
0x268: {  	[tilespmem:s24], [sflag:$0x1] =	stream.indirect_vreg.gather [hbm4b:s1+s3], $0x80, v3, vm0, $0xb8;
	[tilespmem:$0xA080] =	vst v63  }
0x269: {  	v3 =	vld [tilespmem:$0x20];
	_ =	sdelay $0x4  }
0x26a: {  	v61 =	vshll.u32 v3, $0x1  }
0x26b: {  	v3 =	vand.u32 $0x7, v3;
	v4 =	vand.u32 $0xFFFFFFF0, v61  }
0x26c: {  	v3 =	vor.u32 v3, v4  }
0x26d: {  	v4 =	vperm.xlane v3, v0;
	_ =	sdelay $0x1  }
0x26e: {  	v3 =	vperm.xlane v3, v2;
	v4 =	vadd.s32 v1, v4;
	_ =	sdelay $0x1  }
0x26f: {  	v3 =	vadd.s32 v1, v3;
	_ =	sdelay $0x2  }
0x270: {  	[tilespmem:s25], [sflag:$0x1] =	stream.indirect_vreg.gather [hbm4b:s1+s3], $0x80, v4, vm0, $0xb8;
	[tilespmem:$0xA080] =	vst v63  }
0x271: {  	_ = 	snop  }
0x272: {  	[tilespmem:s26], [sflag:$0x1] =	stream.indirect_vreg.gather [hbm4b:s1+s3], $0x80, v3, vm0, $0xb8;
	[tilespmem:$0xA080] =	vst v63  }
0x273: {  	v3 =	vld [tilespmem:$0x30];
	_ =	sdelay $0x4  }
0x274: {  	v62 =	vshll.u32 v3, $0x1  }
0x275: {  	v3 =	vand.u32 $0x7, v3;
	v4 =	vand.u32 $0xFFFFFFF0, v62  }
0x276: {  	v3 =	vor.u32 v3, v4  }
0x277: {  	v4 =	vperm.xlane v3, v0;
	_ =	sdelay $0x1  }
0x278: {  	v3 =	vperm.xlane v3, v2;
	v4 =	vadd.s32 v1, v4;
	_ =	sdelay $0x1  }
0x279: {  	v3 =	vadd.s32 v1, v3;
	_ =	sdelay $0x2  }
0x27a: {  	[tilespmem:s28], [sflag:$0x1] =	stream.indirect_vreg.gather [hbm4b:s1+s3], $0x80, v4, vm0, $0xb8;
	[tilespmem:$0xA080] =	vst v63  }
0x27b: {  	_ = 	snop  }
0x27c: {  	[tilespmem:s29], [sflag:$0x1] =	stream.indirect_vreg.gather [hbm4b:s1+s3], $0x80, v3, vm0, $0xb8;
	[tilespmem:$0xA080] =	vst v63  }
0x27d: {  	v3 =	vld [tilespmem:$0x40];
	_ =	sdelay $0x4  }
0x27e: {  	v63 =	vshll.u32 v3, $0x1  }
0x27f: {  	v3 =	vand.u32 $0x7, v3;
	v4 =	vand.u32 $0xFFFFFFF0, v63  }
0x280: {  	v3 =	vor.u32 v3, v4  }
0x281: {  	v4 =	vperm.xlane v3, v0;
	_ =	sdelay $0x1  }
0x282: {  	v3 =	vperm.xlane v3, v2;
	v4 =	vadd.s32 v1, v4;
	_ =	sdelay $0x1  }
0x283: {  	v3 =	vadd.s32 v1, v3;
	_ =	sdelay $0x2  }
0x284: {  	[tilespmem:s30], [sflag:$0x1] =	stream.indirect_vreg.gather [hbm4b:s1+s3], $0x80, v4, vm0, $0xb8;
	[tilespmem:$0xA080] =	vst v63  }
0x285: {  	_ = 	snop  }
0x286: {  	[tilespmem:s31], [sflag:$0x1] =	stream.indirect_vreg.gather [hbm4b:s1+s3], $0x80, v3, vm0, $0xb8;
	[tilespmem:$0xA080] =	vst v63  }
0x287: {  	_ =	swait.ge [sflag:s20], $0x5000  }
0x288: {  	[sflag:s20] =	ssyncset.done $0x0  }
0x289: {  	[sflag:s20] =	ssyncadd.s32 $0xFFFFB000  }
0x28a: {  	[hbm4b:s7+s3] =	stream.linear.scatter [tilespmem:s21], [sflag:$0x2], $0x5000, $0x38;
	[tilespmem:$0xA080] =	vst v63  }
0x28b: {  	p0 =	sne.s32 s8, $0x1;
	_ =	swait.ge [sflag:s2], $0x5000  }
.Ltmp0:
0x28c: {  	[sflag:s2] =	ssyncset.done $0x0;
	(pc) =	sbr.rel @p0 .LBB2_1-.Ltmp0, $4  }
0x28d: {  	[sflag:s2] =	ssyncadd.s32 $0xFFFFB000  }
0x28e: {  	_ =	swait.ge [sflag:s2], $0x5000  }
0x28f: {  	[sflag:s2] =	ssyncset.done $0x0  }
0x290: {  	s8 =	sadd.s32 $0xFFFFFFFF, s8;
	[sflag:s2] =	ssyncadd.s32 $0xFFFFB000  }
0x291: {  	_ =	sfence.sel $0x180000  }
0x292: {  	[bflag:$0x0] =	sbarrier.arrive $0xFFFF  }
0x293: {  	_ =	strace $0x90000047  }
0x294: {  	s0 =	stileid.u32;
	[bflag:$0x2] =	sbarrier.arrive $0xFFFF  }
0x295: {  	p0 =	sne.s32 s0, $0x0;
	s0 =	rddreg [dreg:$0x3]  }
0x296: {  	s0 =	sadd.s32 @!p0 $0x100000, s0  }
0x297: {  	[sflag:s0] =	ssyncadd.tile.s32 @!p0 $0x1;
	_ =	shalt  }
.Lfunc_end2:
_tile_overlayer_lowered:
.L_overlay_start_2:
0x298: {  	(tag) =	ssettag $0x2  }
0x299: {  	s0 =	rddreg [dreg:$0x0];
	s2 =	stileid.u32  }
0x29a: {  	s1 =	rddreg [dreg:$0x1];
	p0 =	sne.s32 s2, $0x0  }
0x29b: {  	s3 =	rddreg [dreg:$0x2];
	[bflag:$0x3] =	sbarrier.arrive $0xFFFF;
	s2 =	simm.s32 @!p0 $0x1C03  }
0x29c: {  	[timem:s3], [sflag:s2] =	dma.local @!p0 [hbm:s0], s1  }
0x29d: {  	s0 =	simm.s32 @!p0 $0x3  }
0x29e: {  	_ =	swait.ge @!p0 [sflag:s0], s1  }
0x29f: {  	s1 =	ssub.s32 @!p0 $0x0, s1;
	[sflag:s0] =	ssyncset.done @!p0 $0x0  }
0x2a0: {  	[sflag:s0] =	ssyncadd.s32 @!p0 s1  }
0x2a1: {  	[bflag:$0x3] =	sbarrier.arrive $0xFFFF  }
0x2a2: {  	_ =	shalt  }

</sc_bundles>
